<compile_context>
chip_gen: v7x
topology: tpu7x:2x2x1
jax: 0.10.2.dev20260603
libtpu: 0.0.44.dev20260713+nightly
codegen_flags: <defaults>
</compile_context>

<pallas_src>
import functools
import math

import jax
import jax.numpy as jnp
from jax import lax
from jax.experimental import pallas as pl
from jax.experimental.pallas import tpu as pltpu
from jax.experimental.pallas import tpu_sc as plsc

HIDDEN = 128
NG = 50
CUTOFF = 10.0
N_NODES = 10000
N_EDGES = 320000

NC = 2
NS = 16
NW = NC * NS
EPT = N_EDGES // NW
K = 40
NCHUNK = EPT // K
PAD_NODES = 10240
ROWS_PER_TILE = PAD_NODES // NS
LOG2 = math.log(2.0)


def _exp_neg(t):
    z = jnp.maximum(t * (-1.4426950408889634), -80.0)
    n = z.astype(jnp.int32)
    f = z - n.astype(jnp.float32)
    scale = lax.bitcast_convert_type((n + 127) << 23, jnp.float32)
    p = 0.9999980949 + f * (0.693050671 + f * (0.239439223
            + f * (0.05322684081 + f * 0.006841992131)))
    return scale * p


def _ssp(v):
    s = jnp.exp(-jnp.abs(v))
    p = s * (0.9992355276 + s * (-0.4902309268 + s * (0.285273051
            + s * (-0.1315821001 + s * 0.03044907005))))
    return jnp.maximum(v, 0.0) + p - LOG2


def _xh_body(x_ref, w_ref, o_ref):
    o_ref[...] = lax.dot_general(
        x_ref[...], w_ref[...], (((1,), (1,)), ((), ())),
        preferred_element_type=jnp.float32)


def _split_idx_body(ei_ref, s_ref, d_ref):
    s_ref[...] = ei_ref[0]
    d_ref[...] = ei_ref[1]


def _wf_body(ea_ref, ew_ref, w1_ref, b1_ref, w2_ref, b2_ref, o_ref):
    ht = lax.dot_general(
        w1_ref[...].astype(jnp.bfloat16),
        ea_ref[...].astype(jnp.bfloat16), (((0,), (0,)), ((), ())),
        preferred_element_type=jnp.float32)
    ht = _ssp(ht + b1_ref[...])
    u = ew_ref[0] * (math.pi / CUTOFF) - (math.pi / 2)
    u2 = u * u
    sinu = u * (0.9999966009 + u2 * (-0.166648235
            + u2 * (0.008306285554 + u2 * (-0.0001836273269))))
    c = 0.5 - 0.5 * sinu
    hc = (ht * c).astype(jnp.bfloat16)
    wf = lax.dot_general(
        hc, w2_ref[...].astype(jnp.bfloat16), (((0,), (1,)), ((), ())),
        preferred_element_type=jnp.float32)
    bc = lax.dot_general(
        c, b2_ref[...], (((0,), (0,)), ((), ())),
        preferred_element_type=jnp.float32)
    o_ref[...] = wf + bc


NB = 2
SBC = 50
SBE = SBC * K
NSB = NCHUNK // SBC
NIS = 3


def _gather_scatter(xh, src, dst, wf):
    mesh = plsc.VectorSubcoreMesh(
        core_axis_name="c", subcore_axis_name="s",
        num_cores=NC, num_subcores=NS)

    @functools.partial(
        pl.kernel,
        out_type=jax.ShapeDtypeStruct((NC, PAD_NODES, HIDDEN), jnp.float32),
        mesh=mesh,
        scratch_types=[
            pltpu.VMEM((NIS * SBE,), jnp.int32),
            pltpu.VMEM((NIS * SBE,), jnp.int32),
            pltpu.VMEM((NB * K, HIDDEN), jnp.float32),
            pltpu.VMEM((NB * K, HIDDEN), jnp.float32),
            pltpu.VMEM((NB * K, HIDDEN), jnp.float32),
            pltpu.VMEM_SHARED((PAD_NODES, HIDDEN), jnp.float32),
            pltpu.SemaphoreType.DMA,
            pltpu.SemaphoreType.DMA,
            pltpu.SemaphoreType.DMA,
            pltpu.SemaphoreType.DMA,
            pltpu.SemaphoreType.DMA,
            pltpu.SemaphoreType.DMA,
        ],
    )
    def k(xh_hbm, src_hbm, dst_hbm, wf_hbm, out_hbm,
          sidx, didx, rows, wfv, msg, acc,
          gsem0, gsem1, wsem0, wsem1, ssem0, ssem1):
        gsems = (gsem0, gsem1)
        wsems = (wsem0, wsem1)
        ssems = (ssem0, ssem1)
        cid = lax.axis_index("c")
        sid = lax.axis_index("s")
        wid = sid * NC + cid
        base0 = wid * EPT
        row0 = sid * ROWS_PER_TILE

        def zrow(i, carry):
            for j in range(HIDDEN // 16):
                msg[i, pl.ds(j * 16, 16)] = jnp.zeros((16,), jnp.float32)
            return carry
        lax.fori_loop(0, K, zrow, 0)

        def zcp(i, carry):
            pltpu.sync_copy(msg.at[pl.ds(0, K)],
                            acc.at[pl.ds(row0 + i * K, K)])
            return carry
        lax.fori_loop(0, ROWS_PER_TILE // K, zcp, 0)
        plsc.subcore_barrier()

        def idx_off(cc):
            sb = cc // SBC
            return lax.rem(sb, NIS) * SBE + lax.rem(cc, SBC) * K

        def stage_sb(sb):
            base = base0 + sb * SBE
            off = lax.rem(sb, NIS) * SBE
            pltpu.sync_copy(src_hbm.at[pl.ds(base, SBE)],
                            sidx.at[pl.ds(off, SBE)])
            pltpu.sync_copy(dst_hbm.at[pl.ds(base, SBE)],
                            didx.at[pl.ds(off, SBE)])

        def issue(b, cc):
            base = base0 + cc * K
            bK = b * K
            pltpu.async_copy(xh_hbm.at[sidx.at[pl.ds(idx_off(cc), K)]],
                             rows.at[pl.ds(bK, K)], gsems[b])
            pltpu.async_copy(wf_hbm.at[pl.ds(base, K)],
                             wfv.at[pl.ds(bK, K)], wsems[b])

        def consume(b, cc):
            bK = b * K
            dk = idx_off(cc)
            pltpu.make_async_copy(xh_hbm.at[sidx.at[pl.ds(bK, K)]],
                                  rows.at[pl.ds(bK, K)], gsems[b]).wait()
            pltpu.make_async_copy(wf_hbm.at[pl.ds(0, K)],
                                  wfv.at[pl.ds(bK, K)], wsems[b]).wait()

            @pl.when(cc >= NB)
            def _():
                pltpu.make_async_copy(
                    msg.at[pl.ds(bK, K)],
                    acc.at[didx.at[pl.ds(dk, K)]], ssems[b]).wait()

            def mul(i, c2):
                for j in range(HIDDEN // 16):
                    sl = pl.ds(j * 16, 16)
                    msg[bK + i, sl] = rows[bK + i, sl] * wfv[bK + i, sl]
                return c2
            lax.fori_loop(0, K, mul, 0)
            pltpu.async_copy(msg.at[pl.ds(bK, K)],
                             acc.at[didx.at[pl.ds(dk, K)]], ssems[b],
                             add=True)

            @pl.when(lax.rem(cc, SBC) == 2)
            def _():
                sb_next = cc // SBC + 2
                @pl.when(sb_next < NSB)
                def _():
                    stage_sb(sb_next)

            @pl.when(cc + NB < NCHUNK)
            def _():
                issue(b, cc + NB)

        stage_sb(jnp.int32(0))
        stage_sb(jnp.int32(1))
        issue(0, 0)
        issue(1, 1)

        def outer(g, carry):
            for b in range(NB):
                consume(b, NB * g + b)
            return carry
        lax.fori_loop(0, NCHUNK // NB, outer, 0)
        for cc in range((NCHUNK // NB) * NB, NCHUNK):
            consume(cc % NB, jnp.int32(cc))

        for b in range(NB):
            pltpu.make_async_copy(
                msg.at[pl.ds(b * K, K)],
                acc.at[didx.at[pl.ds(0, K)]], ssems[b]).wait()
        plsc.subcore_barrier()
        pltpu.sync_copy(acc.at[pl.ds(row0, ROWS_PER_TILE)],
                        out_hbm.at[cid, pl.ds(row0, ROWS_PER_TILE)])

    return k(xh, src, dst, wf)


def _final_body(p0_ref, p1_ref, w2_ref, b2_ref, lw_ref, lb_ref, o_ref):
    agg = p0_ref[...] + p1_ref[...]
    t = lax.dot_general(
        agg, w2_ref[...], (((1,), (1,)), ((), ())),
        preferred_element_type=jnp.float32) + b2_ref[...]
    t = _ssp(t)
    o_ref[...] = lax.dot_general(
        t, lw_ref[...], (((1,), (1,)), ((), ())),
        preferred_element_type=jnp.float32) + lb_ref[...]


def kernel(x, edge_index, edge_weight, edge_attr,
           lin1_w, lin2_w, lin2_b, mlp_w1, mlp_b1, mlp_w2, mlp_b2,
           lin_w, lin_b):
    BI = N_EDGES
    src, dst = pl.pallas_call(
        _split_idx_body,
        grid=(N_EDGES // BI,),
        in_specs=[pl.BlockSpec((2, BI), lambda i: (0, i))],
        out_specs=[pl.BlockSpec((BI,), lambda i: (i,)),
                   pl.BlockSpec((BI,), lambda i: (i,))],
        out_shape=[jax.ShapeDtypeStruct((N_EDGES,), jnp.int32),
                   jax.ShapeDtypeStruct((N_EDGES,), jnp.int32)],
    )(edge_index)

    BN = 1000
    xh = pl.pallas_call(
        _xh_body,
        grid=(N_NODES // BN,),
        in_specs=[pl.BlockSpec((BN, HIDDEN), lambda i: (i, 0)),
                  pl.BlockSpec((HIDDEN, HIDDEN), lambda i: (0, 0))],
        out_specs=pl.BlockSpec((BN, HIDDEN), lambda i: (i, 0)),
        out_shape=jax.ShapeDtypeStruct((N_NODES, HIDDEN), jnp.float32),
    )(x, lin1_w)

    BE = 6400
    wf = pl.pallas_call(
        _wf_body,
        grid=(N_EDGES // BE,),
        in_specs=[pl.BlockSpec((NG, BE), lambda i: (0, i)),
                  pl.BlockSpec((1, 1, BE), lambda i: (i, 0, 0)),
                  pl.BlockSpec((NG, HIDDEN), lambda i: (0, 0)),
                  pl.BlockSpec((HIDDEN, 1), lambda i: (0, 0)),
                  pl.BlockSpec((HIDDEN, HIDDEN), lambda i: (0, 0)),
                  pl.BlockSpec((1, HIDDEN), lambda i: (0, 0))],
        out_specs=pl.BlockSpec((BE, HIDDEN), lambda i: (i, 0)),
        out_shape=jax.ShapeDtypeStruct((N_EDGES, HIDDEN), jnp.float32),
    )(edge_attr.T, edge_weight.reshape(N_EDGES // BE, 1, BE), mlp_w1.T,
      mlp_b1.reshape(HIDDEN, 1), mlp_w2, mlp_b2.reshape(1, HIDDEN))

    parts = _gather_scatter(xh, src, dst, wf)[:, :N_NODES]

    out = pl.pallas_call(
        _final_body,
        grid=(N_NODES // BN,),
        in_specs=[pl.BlockSpec((BN, HIDDEN), lambda i: (i, 0)),
                  pl.BlockSpec((BN, HIDDEN), lambda i: (i, 0)),
                  pl.BlockSpec((HIDDEN, HIDDEN), lambda i: (0, 0)),
                  pl.BlockSpec((1, HIDDEN), lambda i: (0, 0)),
                  pl.BlockSpec((HIDDEN, HIDDEN), lambda i: (0, 0)),
                  pl.BlockSpec((1, HIDDEN), lambda i: (0, 0))],
        out_specs=pl.BlockSpec((BN, HIDDEN), lambda i: (i, 0)),
        out_shape=jax.ShapeDtypeStruct((N_NODES, HIDDEN), jnp.float32),
    )(parts[0], parts[1], lin2_w, lin2_b.reshape(1, HIDDEN),
      lin_w, lin_b.reshape(1, HIDDEN))
    return out

# --- scband reference (transcript-rebuilt; emitter-appended) ---
"""Pipeline reference for scband-gnnmodel-1898375545379 (READ-ONLY COPY).

The authoritative reference and input builder live on the scoring server;
editing this copy changes nothing except your own understanding.
"""

import jax, jax.numpy as jnp
import numpy as np

HIDDEN = 128
NUM_GAUSSIANS = 50
NUM_FILTERS = 128
CUTOFF = 10.0
N_NODES = 10000
N_EDGES = 320000


def setup_inputs(seed: int = 0) -> dict:
    key = jax.random.key(seed)
    ks = jax.random.split(key, 16)
    x = jax.random.normal(ks[0], (N_NODES, HIDDEN), dtype=jnp.float32)
    edge_index = jax.random.randint(ks[1], (2, N_EDGES), 0, N_NODES, dtype=jnp.int64 if jax.config.jax_enable_x64 else jnp.int32).astype(jnp.int32)
    edge_weight = jax.random.uniform(ks[2], (N_EDGES,), dtype=jnp.float32) * CUTOFF
    edge_attr = jax.random.uniform(ks[3], (N_EDGES, NUM_GAUSSIANS), dtype=jnp.float32)
    s = 0.05
    lin1_w = jax.random.normal(ks[4], (NUM_FILTERS, HIDDEN), dtype=jnp.float32) * s
    lin2_w = jax.random.normal(ks[5], (HIDDEN, NUM_FILTERS), dtype=jnp.float32) * s
    lin2_b = jnp.zeros((HIDDEN,), dtype=jnp.float32)
    mlp_w1 = jax.random.normal(ks[6], (NUM_FILTERS, NUM_GAUSSIANS), dtype=jnp.float32) * s
    mlp_b1 = jnp.zeros((NUM_FILTERS,), dtype=jnp.float32)
    mlp_w2 = jax.random.normal(ks[7], (NUM_FILTERS, NUM_FILTERS), dtype=jnp.float32) * s
    mlp_b2 = jnp.zeros((NUM_FILTERS,), dtype=jnp.float32)
    lin_w = jax.random.normal(ks[8], (HIDDEN, HIDDEN), dtype=jnp.float32) * s
    lin_b = jnp.zeros((HIDDEN,), dtype=jnp.float32)
    return {
        "x": x,
        "edge_index": edge_index,
        "edge_weight": edge_weight,
        "edge_attr": edge_attr,
        "lin1_w": lin1_w,
        "lin2_w": lin2_w,
        "lin2_b": lin2_b,
        "mlp_w1": mlp_w1,
        "mlp_b1": mlp_b1,
        "mlp_w2": mlp_w2,
        "mlp_b2": mlp_b2,
        "lin_w": lin_w,
        "lin_b": lin_b,
    }


def _ssp(v):
    # ShiftedSoftplus: softplus(x) - log(2)
    return jax.nn.softplus(v) - jnp.log(2.0)


def reference(x, edge_index, edge_weight, edge_attr,
              lin1_w, lin2_w, lin2_b, mlp_w1, mlp_b1, mlp_w2, mlp_b2,
              lin_w, lin_b):
    # CFConv filter: W = mlp(edge_attr) * C, with cosine cutoff C
    C = 0.5 * (jnp.cos(edge_weight * jnp.pi / CUTOFF) + 1.0)
    h = _ssp(edge_attr @ mlp_w1.T + mlp_b1)
    Wf = (h @ mlp_w2.T + mlp_b2) * C[:, None]
    # lin1 (no bias): project node features to filter space
    xh = x @ lin1_w.T
    src = edge_index[0]
    dst = edge_index[1]
    # message: x_j * W ; aggregate: scatter-add at destination nodes
    msg = jnp.take(xh, src, axis=0) * Wf
    agg = jax.ops.segment_sum(msg, dst, num_segments=x.shape[0])
    # lin2 with bias
    out = agg @ lin2_w.T + lin2_b
    # InteractionBlock: act + final linear
    out = _ssp(out)
    out = out @ lin_w.T + lin_b
    return out

if __name__ == "__main__":
    import jax
    _d = setup_inputs()
    print(jax.jit(kernel)(*tuple(_d.values())))

</pallas_src>

<mosaic_0001>
#map = affine_map<(d0, d1) -> (0, 0)>
#map1 = affine_map<(d0, d1) -> (0)>
#map2 = affine_map<(d0, d1) -> (0, 0, 0)>
module attributes {stable_mosaic.version = 14 : i64} {
  func.func @k(%arg0: i32, %arg1: i32, %arg2: memref<10000x128xf32, #tpu.memory_space<hbm>>, %arg3: memref<320000xi32, #tpu.memory_space<hbm>>, %arg4: memref<320000xi32, #tpu.memory_space<hbm>>, %arg5: memref<320000x128xf32, #tpu.memory_space<hbm>>, %arg6: memref<2x10240x128xf32, #tpu.memory_space<hbm>>, %arg7: memref<6000xi32, #tpu.memory_space<vmem>>, %arg8: memref<6000xi32, #tpu.memory_space<vmem>>, %arg9: memref<80x128xf32, #tpu.memory_space<vmem>>, %arg10: memref<80x128xf32, #tpu.memory_space<vmem>>, %arg11: memref<80x128xf32, #tpu.memory_space<vmem>>, %arg12: memref<10240x128xf32, #tpu.memory_space<vmem_shared>>, %arg13: memref<!tpu.dma_semaphore, #tpu.memory_space<semaphore_mem>>, %arg14: memref<!tpu.dma_semaphore, #tpu.memory_space<semaphore_mem>>, %arg15: memref<!tpu.dma_semaphore, #tpu.memory_space<semaphore_mem>>, %arg16: memref<!tpu.dma_semaphore, #tpu.memory_space<semaphore_mem>>, %arg17: memref<!tpu.dma_semaphore, #tpu.memory_space<semaphore_mem>>, %arg18: memref<!tpu.dma_semaphore, #tpu.memory_space<semaphore_mem>>) attributes {dimension_semantics = [#tpu.dimension_semantics<core_parallel>, #tpu.dimension_semantics<subcore_parallel>], iteration_bounds = array<i64: 2, 16>, scalar_prefetch = 0 : i64, scratch_operands = 12 : i64, tpu.core_type = #tpu.core_type<sc_vector_subcore>, window_params = [{transform_indices = #map}, {transform_indices = #map1}, {transform_indices = #map1}, {transform_indices = #map}, {transform_indices = #map2}]} {
    %mul3A = arith.constant 2 : i32
    %mul3A_0 = arith.muli %arg1, %mul3A : i32
    %add3A = arith.addi %mul3A_0, %arg0 : i32
    %mul3A_1 = arith.constant 10000 : i32
    %mul3A_2 = arith.muli %add3A, %mul3A_1 : i32
    %mul3A_3 = arith.constant 640 : i32
    %mul3A_4 = arith.muli %arg1, %mul3A_3 : i32
    %scan3A = arith.constant 0 : i32
    %scan3A_5 = arith.constant 0 : i32
    %scan3A_6 = arith.constant 40 : i32
    %scan3A_7 = arith.addi %scan3A_5, %scan3A_6 : i32
    %scan3A_8 = arith.constant 1 : i32
    scf.for %scan3A_114 = %scan3A_5 to %scan3A_7 step %scan3A_8  : i32 {
      %broadcast_in_dim3A = arith.constant 0.000000e+00 : f32
      %broadcast_in_dim3A_115 = vector.broadcast %broadcast_in_dim3A : f32 to vector<16xf32>
      %swap3A = arith.index_cast %scan3A_114 : i32 to index
      %swap3A_116 = arith.constant 0 : index
      %swap3A_117 = tpu.vector_load %arg11[%swap3A, %swap3A_116] {strides = array<i32>} : memref<80x128xf32, #tpu.memory_space<vmem>>, vector<1x16xf32>,
      %swap3A_118 = vector.shape_cast %swap3A_117 : vector<1x16xf32> to vector<16xf32>
      %swap3A_119 = vector.shape_cast %broadcast_in_dim3A_115 : vector<16xf32> to vector<1x16xf32>
      tpu.vector_store %arg11[%swap3A, %swap3A_116], %swap3A_119 {strides = array<i32>} : memref<80x128xf32, #tpu.memory_space<vmem>>, vector<1x16xf32>,
      %broadcast_in_dim3A_120 = arith.constant 0.000000e+00 : f32
      %broadcast_in_dim3A_121 = vector.broadcast %broadcast_in_dim3A_120 : f32 to vector<16xf32>
      %swap3A_122 = arith.index_cast %scan3A_114 : i32 to index
      %swap3A_123 = arith.constant 16 : index
      %swap3A_124 = tpu.vector_load %arg11[%swap3A_122, %swap3A_123] {strides = array<i32>} : memref<80x128xf32, #tpu.memory_space<vmem>>, vector<1x16xf32>,
      %swap3A_125 = vector.shape_cast %swap3A_124 : vector<1x16xf32> to vector<16xf32>
      %swap3A_126 = vector.shape_cast %broadcast_in_dim3A_121 : vector<16xf32> to vector<1x16xf32>
      tpu.vector_store %arg11[%swap3A_122, %swap3A_123], %swap3A_126 {strides = array<i32>} : memref<80x128xf32, #tpu.memory_space<vmem>>, vector<1x16xf32>,
      %broadcast_in_dim3A_127 = arith.constant 0.000000e+00 : f32
      %broadcast_in_dim3A_128 = vector.broadcast %broadcast_in_dim3A_127 : f32 to vector<16xf32>
      %swap3A_129 = arith.index_cast %scan3A_114 : i32 to index
      %swap3A_130 = arith.constant 32 : index
      %swap3A_131 = tpu.vector_load %arg11[%swap3A_129, %swap3A_130] {strides = array<i32>} : memref<80x128xf32, #tpu.memory_space<vmem>>, vector<1x16xf32>,
      %swap3A_132 = vector.shape_cast %swap3A_131 : vector<1x16xf32> to vector<16xf32>
      %swap3A_133 = vector.shape_cast %broadcast_in_dim3A_128 : vector<16xf32> to vector<1x16xf32>
      tpu.vector_store %arg11[%swap3A_129, %swap3A_130], %swap3A_133 {strides = array<i32>} : memref<80x128xf32, #tpu.memory_space<vmem>>, vector<1x16xf32>,
      %broadcast_in_dim3A_134 = arith.constant 0.000000e+00 : f32
      %broadcast_in_dim3A_135 = vector.broadcast %broadcast_in_dim3A_134 : f32 to vector<16xf32>
      %swap3A_136 = arith.index_cast %scan3A_114 : i32 to index
      %swap3A_137 = arith.constant 48 : index
      %swap3A_138 = tpu.vector_load %arg11[%swap3A_136, %swap3A_137] {strides = array<i32>} : memref<80x128xf32, #tpu.memory_space<vmem>>, vector<1x16xf32>,
      %swap3A_139 = vector.shape_cast %swap3A_138 : vector<1x16xf32> to vector<16xf32>
      %swap3A_140 = vector.shape_cast %broadcast_in_dim3A_135 : vector<16xf32> to vector<1x16xf32>
      tpu.vector_store %arg11[%swap3A_136, %swap3A_137], %swap3A_140 {strides = array<i32>} : memref<80x128xf32, #tpu.memory_space<vmem>>, vector<1x16xf32>,
      %broadcast_in_dim3A_141 = arith.constant 0.000000e+00 : f32
      %broadcast_in_dim3A_142 = vector.broadcast %broadcast_in_dim3A_141 : f32 to vector<16xf32>
      %swap3A_143 = arith.index_cast %scan3A_114 : i32 to index
      %swap3A_144 = arith.constant 64 : index
      %swap3A_145 = tpu.vector_load %arg11[%swap3A_143, %swap3A_144] {strides = array<i32>} : memref<80x128xf32, #tpu.memory_space<vmem>>, vector<1x16xf32>,
      %swap3A_146 = vector.shape_cast %swap3A_145 : vector<1x16xf32> to vector<16xf32>
      %swap3A_147 = vector.shape_cast %broadcast_in_dim3A_142 : vector<16xf32> to vector<1x16xf32>
      tpu.vector_store %arg11[%swap3A_143, %swap3A_144], %swap3A_147 {strides = array<i32>} : memref<80x128xf32, #tpu.memory_space<vmem>>, vector<1x16xf32>,
      %broadcast_in_dim3A_148 = arith.constant 0.000000e+00 : f32
      %broadcast_in_dim3A_149 = vector.broadcast %broadcast_in_dim3A_148 : f32 to vector<16xf32>
      %swap3A_150 = arith.index_cast %scan3A_114 : i32 to index
      %swap3A_151 = arith.constant 80 : index
      %swap3A_152 = tpu.vector_load %arg11[%swap3A_150, %swap3A_151] {strides = array<i32>} : memref<80x128xf32, #tpu.memory_space<vmem>>, vector<1x16xf32>,
      %swap3A_153 = vector.shape_cast %swap3A_152 : vector<1x16xf32> to vector<16xf32>
      %swap3A_154 = vector.shape_cast %broadcast_in_dim3A_149 : vector<16xf32> to vector<1x16xf32>
      tpu.vector_store %arg11[%swap3A_150, %swap3A_151], %swap3A_154 {strides = array<i32>} : memref<80x128xf32, #tpu.memory_space<vmem>>, vector<1x16xf32>,
      %broadcast_in_dim3A_155 = arith.constant 0.000000e+00 : f32
      %broadcast_in_dim3A_156 = vector.broadcast %broadcast_in_dim3A_155 : f32 to vector<16xf32>
      %swap3A_157 = arith.index_cast %scan3A_114 : i32 to index
      %swap3A_158 = arith.constant 96 : index
      %swap3A_159 = tpu.vector_load %arg11[%swap3A_157, %swap3A_158] {strides = array<i32>} : memref<80x128xf32, #tpu.memory_space<vmem>>, vector<1x16xf32>,
      %swap3A_160 = vector.shape_cast %swap3A_159 : vector<1x16xf32> to vector<16xf32>
      %swap3A_161 = vector.shape_cast %broadcast_in_dim3A_156 : vector<16xf32> to vector<1x16xf32>
      tpu.vector_store %arg11[%swap3A_157, %swap3A_158], %swap3A_161 {strides = array<i32>} : memref<80x128xf32, #tpu.memory_space<vmem>>, vector<1x16xf32>,
      %broadcast_in_dim3A_162 = arith.constant 0.000000e+00 : f32
      %broadcast_in_dim3A_163 = vector.broadcast %broadcast_in_dim3A_162 : f32 to vector<16xf32>
      %swap3A_164 = arith.index_cast %scan3A_114 : i32 to index
      %swap3A_165 = arith.constant 112 : index
      %swap3A_166 = tpu.vector_load %arg11[%swap3A_164, %swap3A_165] {strides = array<i32>} : memref<80x128xf32, #tpu.memory_space<vmem>>, vector<1x16xf32>,
      %swap3A_167 = vector.shape_cast %swap3A_166 : vector<1x16xf32> to vector<16xf32>
      %swap3A_168 = vector.shape_cast %broadcast_in_dim3A_163 : vector<16xf32> to vector<1x16xf32>
      tpu.vector_store %arg11[%swap3A_164, %swap3A_165], %swap3A_168 {strides = array<i32>} : memref<80x128xf32, #tpu.memory_space<vmem>>, vector<1x16xf32>,
    }
    %scan3A_9 = arith.constant 40 : i32
    %scan3A_10 = arith.constant 0 : i32
    %scan3A_11 = arith.constant 0 : i32
    %scan3A_12 = arith.constant 16 : i32
    %scan3A_13 = arith.addi %scan3A_11, %scan3A_12 : i32
    %scan3A_14 = arith.constant 1 : i32
    scf.for %scan3A_114 = %scan3A_11 to %scan3A_13 step %scan3A_14  : i32 {
      %mul3A_115 = arith.constant 40 : i32
      %mul3A_116 = arith.muli %scan3A_114, %mul3A_115 : i32
      %add3A_117 = arith.addi %mul3A_4, %mul3A_116 : i32
      "tpu.region"() ({
        %run_scoped3A = tpu.sem_alloc : memref<!tpu.dma_semaphore, #tpu.memory_space<semaphore_mem>>
        %dma_start3A_118 = arith.constant 0 : i32
        %dma_start3A_119 = arith.constant 0 : i32
        %dma_start3A_120 = tpu.memref_slice %arg11[%dma_start3A_118, %dma_start3A_119] : memref<80x128xf32, #tpu.memory_space<vmem>> -> memref<40x128xf32, #tpu.memory_space<vmem>>
        %dma_start3A_121 = arith.constant 0 : i32
        %dma_start3A_122 = tpu.memref_slice %arg12[%add3A_117, %dma_start3A_121] : memref<10240x128xf32, #tpu.memory_space<vmem_shared>> -> memref<40x128xf32, #tpu.memory_space<vmem_shared>>
        %dma_start3A_123 = arith.constant 0 : i32
        %dma_start3A_124 = tpu.memref_slice %arg12[%add3A_117, %dma_start3A_123] : memref<10240x128xf32, #tpu.memory_space<vmem_shared>> -> memref<40x128xf32, #tpu.memory_space<vmem_shared>>
        %dma_start3A_125 = arith.constant 0 : i32
        %dma_start3A_126 = arith.constant 0 : i32
        %dma_start3A_127 = tpu.memref_slice %arg11[%dma_start3A_125, %dma_start3A_126] : memref<80x128xf32, #tpu.memory_space<vmem>> -> memref<40x128xf32, #tpu.memory_space<vmem>>
        tpu.enqueue_dma source(%dma_start3A_127 : memref<40x128xf32, #tpu.memory_space<vmem>>) target(%dma_start3A_124 : memref<40x128xf32, #tpu.memory_space<vmem_shared>>) target_semaphore(%run_scoped3A : memref<!tpu.dma_semaphore, #tpu.memory_space<semaphore_mem>>)
        %dma_wait3A_128 = arith.constant 0 : i32
        %dma_wait3A_129 = arith.constant 0 : i32
        %dma_wait3A_130 = tpu.memref_slice %arg11[%dma_wait3A_128, %dma_wait3A_129] : memref<80x128xf32, #tpu.memory_space<vmem>> -> memref<40x128xf32, #tpu.memory_space<vmem>>
        %dma_wait3A_131 = arith.constant 0 : i32
        %dma_wait3A_132 = tpu.memref_slice %arg12[%add3A_117, %dma_wait3A_131] : memref<10240x128xf32, #tpu.memory_space<vmem_shared>> -> memref<40x128xf32, #tpu.memory_space<vmem_shared>>
        %dma_wait3A_133 = arith.constant 0 : i32
        %dma_wait3A_134 = tpu.memref_slice %arg12[%add3A_117, %dma_wait3A_133] : memref<10240x128xf32, #tpu.memory_space<vmem_shared>> -> memref<40x128xf32, #tpu.memory_space<vmem_shared>>
        %dma_wait3A_135 = arith.constant 0 : i32
        %dma_wait3A_136 = arith.constant 0 : i32
        %dma_wait3A_137 = tpu.memref_slice %arg11[%dma_wait3A_135, %dma_wait3A_136] : memref<80x128xf32, #tpu.memory_space<vmem>> -> memref<40x128xf32, #tpu.memory_space<vmem>>
        tpu.wait_dma2 semaphore(%run_scoped3A : memref<!tpu.dma_semaphore, #tpu.memory_space<semaphore_mem>>) src(%dma_wait3A_137 : memref<40x128xf32, #tpu.memory_space<vmem>>) dst(%dma_wait3A_134 : memref<40x128xf32, #tpu.memory_space<vmem_shared>>)
        tpu.yield
      }) : () -> ()
    }
    %scan3A_15 = arith.constant 16 : i32
    %barrier3A = arith.constant 0 : index
    tpu.barrier barrier_id(%barrier3A)
    %mul3A_16 = arith.constant 0 : i32
    %mul3A_17 = arith.constant 2000 : i32
    %mul3A_18 = arith.muli %mul3A_16, %mul3A_17 : i32
    %add3A_19 = arith.addi %mul3A_2, %mul3A_18 : i32
    %rem3A = arith.constant 0 : i32
    %rem3A_20 = arith.constant 3 : i32
    %rem3A_21 = arith.remsi %rem3A, %rem3A_20 : i32
    %mul3A_22 = arith.constant 2000 : i32
    %mul3A_23 = arith.muli %rem3A_21, %mul3A_22 : i32
    "tpu.region"() ({
      %run_scoped3A = tpu.sem_alloc : memref<!tpu.dma_semaphore, #tpu.memory_space<semaphore_mem>>
      %dma_start3A_114 = tpu.memref_slice %arg7[%mul3A_23] : memref<6000xi32, #tpu.memory_space<vmem>> -> memref<2000xi32, #tpu.memory_space<vmem>>
      %dma_start3A_115 = tpu.memref_slice %arg3[%add3A_19] : memref<320000xi32, #tpu.memory_space<hbm>> -> memref<2000xi32, #tpu.memory_space<hbm>>
      %dma_start3A_116 = tpu.memref_slice %arg7[%mul3A_23] : memref<6000xi32, #tpu.memory_space<vmem>> -> memref<2000xi32, #tpu.memory_space<vmem>>
      %dma_start3A_117 = tpu.memref_slice %arg3[%add3A_19] : memref<320000xi32, #tpu.memory_space<hbm>> -> memref<2000xi32, #tpu.memory_space<hbm>>
      tpu.enqueue_dma source(%dma_start3A_117 : memref<2000xi32, #tpu.memory_space<hbm>>) target(%dma_start3A_116 : memref<2000xi32, #tpu.memory_space<vmem>>) target_semaphore(%run_scoped3A : memref<!tpu.dma_semaphore, #tpu.memory_space<semaphore_mem>>)
      %dma_wait3A_118 = tpu.memref_slice %arg7[%mul3A_23] : memref<6000xi32, #tpu.memory_space<vmem>> -> memref<2000xi32, #tpu.memory_space<vmem>>
      %dma_wait3A_119 = tpu.memref_slice %arg3[%add3A_19] : memref<320000xi32, #tpu.memory_space<hbm>> -> memref<2000xi32, #tpu.memory_space<hbm>>
      %dma_wait3A_120 = tpu.memref_slice %arg7[%mul3A_23] : memref<6000xi32, #tpu.memory_space<vmem>> -> memref<2000xi32, #tpu.memory_space<vmem>>
      %dma_wait3A_121 = tpu.memref_slice %arg3[%add3A_19] : memref<320000xi32, #tpu.memory_space<hbm>> -> memref<2000xi32, #tpu.memory_space<hbm>>
      tpu.wait_dma2 semaphore(%run_scoped3A : memref<!tpu.dma_semaphore, #tpu.memory_space<semaphore_mem>>) src(%dma_wait3A_121 : memref<2000xi32, #tpu.memory_space<hbm>>) dst(%dma_wait3A_120 : memref<2000xi32, #tpu.memory_space<vmem>>)
      tpu.yield
    }) : () -> ()
    "tpu.region"() ({
      %run_scoped3A = tpu.sem_alloc : memref<!tpu.dma_semaphore, #tpu.memory_space<semaphore_mem>>
      %dma_start3A_114 = tpu.memref_slice %arg8[%mul3A_23] : memref<6000xi32, #tpu.memory_space<vmem>> -> memref<2000xi32, #tpu.memory_space<vmem>>
      %dma_start3A_115 = tpu.memref_slice %arg4[%add3A_19] : memref<320000xi32, #tpu.memory_space<hbm>> -> memref<2000xi32, #tpu.memory_space<hbm>>
      %dma_start3A_116 = tpu.memref_slice %arg8[%mul3A_23] : memref<6000xi32, #tpu.memory_space<vmem>> -> memref<2000xi32, #tpu.memory_space<vmem>>
      %dma_start3A_117 = tpu.memref_slice %arg4[%add3A_19] : memref<320000xi32, #tpu.memory_space<hbm>> -> memref<2000xi32, #tpu.memory_space<hbm>>
      tpu.enqueue_dma source(%dma_start3A_117 : memref<2000xi32, #tpu.memory_space<hbm>>) target(%dma_start3A_116 : memref<2000xi32, #tpu.memory_space<vmem>>) target_semaphore(%run_scoped3A : memref<!tpu.dma_semaphore, #tpu.memory_space<semaphore_mem>>)
      %dma_wait3A_118 = tpu.memref_slice %arg8[%mul3A_23] : memref<6000xi32, #tpu.memory_space<vmem>> -> memref<2000xi32, #tpu.memory_space<vmem>>
      %dma_wait3A_119 = tpu.memref_slice %arg4[%add3A_19] : memref<320000xi32, #tpu.memory_space<hbm>> -> memref<2000xi32, #tpu.memory_space<hbm>>
      %dma_wait3A_120 = tpu.memref_slice %arg8[%mul3A_23] : memref<6000xi32, #tpu.memory_space<vmem>> -> memref<2000xi32, #tpu.memory_space<vmem>>
      %dma_wait3A_121 = tpu.memref_slice %arg4[%add3A_19] : memref<320000xi32, #tpu.memory_space<hbm>> -> memref<2000xi32, #tpu.memory_space<hbm>>
      tpu.wait_dma2 semaphore(%run_scoped3A : memref<!tpu.dma_semaphore, #tpu.memory_space<semaphore_mem>>) src(%dma_wait3A_121 : memref<2000xi32, #tpu.memory_space<hbm>>) dst(%dma_wait3A_120 : memref<2000xi32, #tpu.memory_space<vmem>>)
      tpu.yield
    }) : () -> ()
    %mul3A_24 = arith.constant 1 : i32
    %mul3A_25 = arith.constant 2000 : i32
    %mul3A_26 = arith.muli %mul3A_24, %mul3A_25 : i32
    %add3A_27 = arith.addi %mul3A_2, %mul3A_26 : i32
    %rem3A_28 = arith.constant 1 : i32
    %rem3A_29 = arith.constant 3 : i32
    %rem3A_30 = arith.remsi %rem3A_28, %rem3A_29 : i32
    %mul3A_31 = arith.constant 2000 : i32
    %mul3A_32 = arith.muli %rem3A_30, %mul3A_31 : i32
    "tpu.region"() ({
      %run_scoped3A = tpu.sem_alloc : memref<!tpu.dma_semaphore, #tpu.memory_space<semaphore_mem>>
      %dma_start3A_114 = tpu.memref_slice %arg7[%mul3A_32] : memref<6000xi32, #tpu.memory_space<vmem>> -> memref<2000xi32, #tpu.memory_space<vmem>>
      %dma_start3A_115 = tpu.memref_slice %arg3[%add3A_27] : memref<320000xi32, #tpu.memory_space<hbm>> -> memref<2000xi32, #tpu.memory_space<hbm>>
      %dma_start3A_116 = tpu.memref_slice %arg7[%mul3A_32] : memref<6000xi32, #tpu.memory_space<vmem>> -> memref<2000xi32, #tpu.memory_space<vmem>>
      %dma_start3A_117 = tpu.memref_slice %arg3[%add3A_27] : memref<320000xi32, #tpu.memory_space<hbm>> -> memref<2000xi32, #tpu.memory_space<hbm>>
      tpu.enqueue_dma source(%dma_start3A_117 : memref<2000xi32, #tpu.memory_space<hbm>>) target(%dma_start3A_116 : memref<2000xi32, #tpu.memory_space<vmem>>) target_semaphore(%run_scoped3A : memref<!tpu.dma_semaphore, #tpu.memory_space<semaphore_mem>>)
      %dma_wait3A_118 = tpu.memref_slice %arg7[%mul3A_32] : memref<6000xi32, #tpu.memory_space<vmem>> -> memref<2000xi32, #tpu.memory_space<vmem>>
      %dma_wait3A_119 = tpu.memref_slice %arg3[%add3A_27] : memref<320000xi32, #tpu.memory_space<hbm>> -> memref<2000xi32, #tpu.memory_space<hbm>>
      %dma_wait3A_120 = tpu.memref_slice %arg7[%mul3A_32] : memref<6000xi32, #tpu.memory_space<vmem>> -> memref<2000xi32, #tpu.memory_space<vmem>>
      %dma_wait3A_121 = tpu.memref_slice %arg3[%add3A_27] : memref<320000xi32, #tpu.memory_space<hbm>> -> memref<2000xi32, #tpu.memory_space<hbm>>
      tpu.wait_dma2 semaphore(%run_scoped3A : memref<!tpu.dma_semaphore, #tpu.memory_space<semaphore_mem>>) src(%dma_wait3A_121 : memref<2000xi32, #tpu.memory_space<hbm>>) dst(%dma_wait3A_120 : memref<2000xi32, #tpu.memory_space<vmem>>)
      tpu.yield
    }) : () -> ()
    "tpu.region"() ({
      %run_scoped3A = tpu.sem_alloc : memref<!tpu.dma_semaphore, #tpu.memory_space<semaphore_mem>>
      %dma_start3A_114 = tpu.memref_slice %arg8[%mul3A_32] : memref<6000xi32, #tpu.memory_space<vmem>> -> memref<2000xi32, #tpu.memory_space<vmem>>
      %dma_start3A_115 = tpu.memref_slice %arg4[%add3A_27] : memref<320000xi32, #tpu.memory_space<hbm>> -> memref<2000xi32, #tpu.memory_space<hbm>>
      %dma_start3A_116 = tpu.memref_slice %arg8[%mul3A_32] : memref<6000xi32, #tpu.memory_space<vmem>> -> memref<2000xi32, #tpu.memory_space<vmem>>
      %dma_start3A_117 = tpu.memref_slice %arg4[%add3A_27] : memref<320000xi32, #tpu.memory_space<hbm>> -> memref<2000xi32, #tpu.memory_space<hbm>>
      tpu.enqueue_dma source(%dma_start3A_117 : memref<2000xi32, #tpu.memory_space<hbm>>) target(%dma_start3A_116 : memref<2000xi32, #tpu.memory_space<vmem>>) target_semaphore(%run_scoped3A : memref<!tpu.dma_semaphore, #tpu.memory_space<semaphore_mem>>)
      %dma_wait3A_118 = tpu.memref_slice %arg8[%mul3A_32] : memref<6000xi32, #tpu.memory_space<vmem>> -> memref<2000xi32, #tpu.memory_space<vmem>>
      %dma_wait3A_119 = tpu.memref_slice %arg4[%add3A_27] : memref<320000xi32, #tpu.memory_space<hbm>> -> memref<2000xi32, #tpu.memory_space<hbm>>
      %dma_wait3A_120 = tpu.memref_slice %arg8[%mul3A_32] : memref<6000xi32, #tpu.memory_space<vmem>> -> memref<2000xi32, #tpu.memory_space<vmem>>
      %dma_wait3A_121 = tpu.memref_slice %arg4[%add3A_27] : memref<320000xi32, #tpu.memory_space<hbm>> -> memref<2000xi32, #tpu.memory_space<hbm>>
      tpu.wait_dma2 semaphore(%run_scoped3A : memref<!tpu.dma_semaphore, #tpu.memory_space<semaphore_mem>>) src(%dma_wait3A_121 : memref<2000xi32, #tpu.memory_space<hbm>>) dst(%dma_wait3A_120 : memref<2000xi32, #tpu.memory_space<vmem>>)
      tpu.yield
    }) : () -> ()
    %add3A_33 = arith.constant 0 : i32
    %add3A_34 = arith.addi %mul3A_2, %add3A_33 : i32
    %rem3A_35 = arith.constant 0 : i32
    %rem3A_36 = arith.constant 3 : i32
    %rem3A_37 = arith.remsi %rem3A_35, %rem3A_36 : i32
    %mul3A_38 = arith.constant 2000 : i32
    %mul3A_39 = arith.muli %rem3A_37, %mul3A_38 : i32
    %rem3A_40 = arith.constant 0 : i32
    %rem3A_41 = arith.constant 50 : i32
    %rem3A_42 = arith.remsi %rem3A_40, %rem3A_41 : i32
    %mul3A_43 = arith.constant 40 : i32
    %mul3A_44 = arith.muli %rem3A_42, %mul3A_43 : i32
    %add3A_45 = arith.addi %mul3A_39, %mul3A_44 : i32
    %dma_start3A = arith.constant 0 : i32
    %dma_start3A_46 = arith.constant 0 : i32
    %dma_start3A_47 = tpu.memref_slice %arg9[%dma_start3A, %dma_start3A_46] : memref<80x128xf32, #tpu.memory_space<vmem>> -> memref<40x128xf32, #tpu.memory_space<vmem>>
    %dma_start3A_48 = tpu.memref_slice %arg7[%add3A_45] : memref<6000xi32, #tpu.memory_space<vmem>> -> memref<40xi32, #tpu.memory_space<vmem>>
    %dma_start3A_49 = arith.constant 0 : i32
    %dma_start3A_50 = arith.constant 0 : i32
    %dma_start3A_51 = tpu.memref_slice %arg2[%dma_start3A_49, %dma_start3A_50] : memref<10000x128xf32, #tpu.memory_space<hbm>> -> memref<10000x128xf32, #tpu.memory_space<hbm>>
    tpu.enqueue_indirect_dma source(%dma_start3A_51 : memref<10000x128xf32, #tpu.memory_space<hbm>>) target(%dma_start3A_47 : memref<40x128xf32, #tpu.memory_space<vmem>>) offsets(%dma_start3A_48 : memref<40xi32, #tpu.memory_space<vmem>>) semaphore(%arg13 : memref<!tpu.dma_semaphore, #tpu.memory_space<semaphore_mem>>)
    %dma_start3A_52 = arith.constant 0 : i32
    %dma_start3A_53 = arith.constant 0 : i32
    %dma_start3A_54 = tpu.memref_slice %arg10[%dma_start3A_52, %dma_start3A_53] : memref<80x128xf32, #tpu.memory_space<vmem>> -> memref<40x128xf32, #tpu.memory_space<vmem>>
    %dma_start3A_55 = arith.constant 0 : i32
    %dma_start3A_56 = tpu.memref_slice %arg5[%add3A_34, %dma_start3A_55] : memref<320000x128xf32, #tpu.memory_space<hbm>> -> memref<40x128xf32, #tpu.memory_space<hbm>>
    %dma_start3A_57 = arith.constant 0 : i32
    %dma_start3A_58 = arith.constant 0 : i32
    %dma_start3A_59 = tpu.memref_slice %arg10[%dma_start3A_57, %dma_start3A_58] : memref<80x128xf32, #tpu.memory_space<vmem>> -> memref<40x128xf32, #tpu.memory_space<vmem>>
    %dma_start3A_60 = arith.constant 0 : i32
    %dma_start3A_61 = tpu.memref_slice %arg5[%add3A_34, %dma_start3A_60] : memref<320000x128xf32, #tpu.memory_space<hbm>> -> memref<40x128xf32, #tpu.memory_space<hbm>>
    tpu.enqueue_dma source(%dma_start3A_61 : memref<40x128xf32, #tpu.memory_space<hbm>>) target(%dma_start3A_59 : memref<40x128xf32, #tpu.memory_space<vmem>>) target_semaphore(%arg15 : memref<!tpu.dma_semaphore, #tpu.memory_space<semaphore_mem>>)
    %add3A_62 = arith.constant 40 : i32
    %add3A_63 = arith.addi %mul3A_2, %add3A_62 : i32
    %rem3A_64 = arith.constant 0 : i32
    %rem3A_65 = arith.constant 3 : i32
    %rem3A_66 = arith.remsi %rem3A_64, %rem3A_65 : i32
    %mul3A_67 = arith.constant 2000 : i32
    %mul3A_68 = arith.muli %rem3A_66, %mul3A_67 : i32
    %rem3A_69 = arith.constant 1 : i32
    %rem3A_70 = arith.constant 50 : i32
    %rem3A_71 = arith.remsi %rem3A_69, %rem3A_70 : i32
    %mul3A_72 = arith.constant 40 : i32
    %mul3A_73 = arith.muli %rem3A_71, %mul3A_72 : i32
    %add3A_74 = arith.addi %mul3A_68, %mul3A_73 : i32
    %dma_start3A_75 = arith.constant 40 : i32
    %dma_start3A_76 = arith.constant 0 : i32
    %dma_start3A_77 = tpu.memref_slice %arg9[%dma_start3A_75, %dma_start3A_76] : memref<80x128xf32, #tpu.memory_space<vmem>> -> memref<40x128xf32, #tpu.memory_space<vmem>>
    %dma_start3A_78 = tpu.memref_slice %arg7[%add3A_74] : memref<6000xi32, #tpu.memory_space<vmem>> -> memref<40xi32, #tpu.memory_space<vmem>>
    %dma_start3A_79 = arith.constant 0 : i32
    %dma_start3A_80 = arith.constant 0 : i32
    %dma_start3A_81 = tpu.memref_slice %arg2[%dma_start3A_79, %dma_start3A_80] : memref<10000x128xf32, #tpu.memory_space<hbm>> -> memref<10000x128xf32, #tpu.memory_space<hbm>>
    tpu.enqueue_indirect_dma source(%dma_start3A_81 : memref<10000x128xf32, #tpu.memory_space<hbm>>) target(%dma_start3A_77 : memref<40x128xf32, #tpu.memory_space<vmem>>) offsets(%dma_start3A_78 : memref<40xi32, #tpu.memory_space<vmem>>) semaphore(%arg14 : memref<!tpu.dma_semaphore, #tpu.memory_space<semaphore_mem>>)
    %dma_start3A_82 = arith.constant 40 : i32
    %dma_start3A_83 = arith.constant 0 : i32
    %dma_start3A_84 = tpu.memref_slice %arg10[%dma_start3A_82, %dma_start3A_83] : memref<80x128xf32, #tpu.memory_space<vmem>> -> memref<40x128xf32, #tpu.memory_space<vmem>>
    %dma_start3A_85 = arith.constant 0 : i32
    %dma_start3A_86 = tpu.memref_slice %arg5[%add3A_63, %dma_start3A_85] : memref<320000x128xf32, #tpu.memory_space<hbm>> -> memref<40x128xf32, #tpu.memory_space<hbm>>
    %dma_start3A_87 = arith.constant 40 : i32
    %dma_start3A_88 = arith.constant 0 : i32
    %dma_start3A_89 = tpu.memref_slice %arg10[%dma_start3A_87, %dma_start3A_88] : memref<80x128xf32, #tpu.memory_space<vmem>> -> memref<40x128xf32, #tpu.memory_space<vmem>>
    %dma_start3A_90 = arith.constant 0 : i32
    %dma_start3A_91 = tpu.memref_slice %arg5[%add3A_63, %dma_start3A_90] : memref<320000x128xf32, #tpu.memory_space<hbm>> -> memref<40x128xf32, #tpu.memory_space<hbm>>
    tpu.enqueue_dma source(%dma_start3A_91 : memref<40x128xf32, #tpu.memory_space<hbm>>) target(%dma_start3A_89 : memref<40x128xf32, #tpu.memory_space<vmem>>) target_semaphore(%arg16 : memref<!tpu.dma_semaphore, #tpu.memory_space<semaphore_mem>>)
    %scan3A_92 = arith.constant 0 : i32
    %scan3A_93 = arith.constant 0 : i32
    %scan3A_94 = arith.constant 125 : i32
    %scan3A_95 = arith.addi %scan3A_93, %scan3A_94 : i32
    %scan3A_96 = arith.constant 1 : i32
    scf.for %scan3A_114 = %scan3A_93 to %scan3A_95 step %scan3A_96  : i32 {
      %mul3A_115 = arith.constant 2 : i32
      %mul3A_116 = arith.muli %mul3A_115, %scan3A_114 : i32
      %add3A_117 = arith.constant 0 : i32
      %add3A_118 = arith.addi %mul3A_116, %add3A_117 : i32
      %jit3A = arith.constant 50 : i32
      %div3A = arith.divsi %add3A_118, %jit3A : i32
      %sign3A = arith.constant 0 : i32
      %sign3A_119 = arith.cmpi sgt, %add3A_118, %sign3A : i32
      %sign3A_120 = arith.extui %sign3A_119 : i1 to i32
      %sign3A_121 = arith.constant 0 : i32
      %sign3A_122 = arith.cmpi slt, %add3A_118, %sign3A_121 : i32
      %sign3A_123 = arith.extui %sign3A_122 : i1 to i32
      %sign3A_124 = arith.subi %sign3A_120, %sign3A_123 : i32
      %sign3A_125 = arith.constant 0 : i32
      %sign3A_126 = arith.cmpi sgt, %jit3A, %sign3A_125 : i32
      %sign3A_127 = arith.extui %sign3A_126 : i1 to i32
      %sign3A_128 = arith.constant 0 : i32
      %sign3A_129 = arith.cmpi slt, %jit3A, %sign3A_128 : i32
      %sign3A_130 = arith.extui %sign3A_129 : i1 to i32
      %sign3A_131 = arith.subi %sign3A_127, %sign3A_130 : i32
      %ne3A = arith.cmpi ne, %sign3A_124, %sign3A_131 : i32
      %rem3A_132 = arith.remsi %add3A_118, %jit3A : i32
      %ne3A_133 = arith.constant 0 : i32
      %ne3A_134 = arith.cmpi ne, %rem3A_132, %ne3A_133 : i32
      %and3A = arith.andi %ne3A, %ne3A_134 : i1
      %sub3A = arith.constant 1 : i32
      %sub3A_135 = arith.subi %div3A, %sub3A : i32
      %select_n3A = arith.select %and3A, %sub3A_135, %div3A : i32
      %rem3A_136 = arith.constant 3 : i32
      %rem3A_137 = arith.remsi %select_n3A, %rem3A_136 : i32
      %mul3A_138 = arith.constant 2000 : i32
      %mul3A_139 = arith.muli %rem3A_137, %mul3A_138 : i32
      %rem3A_140 = arith.constant 50 : i32
      %rem3A_141 = arith.remsi %add3A_118, %rem3A_140 : i32
      %mul3A_142 = arith.constant 40 : i32
      %mul3A_143 = arith.muli %rem3A_141, %mul3A_142 : i32
      %add3A_144 = arith.addi %mul3A_139, %mul3A_143 : i32
      %dma_wait3A_145 = arith.constant 0 : i32
      %dma_wait3A_146 = arith.constant 0 : i32
      %dma_wait3A_147 = tpu.memref_slice %arg9[%dma_wait3A_145, %dma_wait3A_146] : memref<80x128xf32, #tpu.memory_space<vmem>> -> memref<40x128xf32, #tpu.memory_space<vmem>>
      %dma_wait3A_148 = arith.constant 0 : i32
      %dma_wait3A_149 = tpu.memref_slice %arg7[%dma_wait3A_148] : memref<6000xi32, #tpu.memory_space<vmem>> -> memref<40xi32, #tpu.memory_space<vmem>>
      %dma_wait3A_150 = arith.constant 0 : i32
      %dma_wait3A_151 = arith.constant 0 : i32
      %dma_wait3A_152 = tpu.memref_slice %arg2[%dma_wait3A_150, %dma_wait3A_151] : memref<10000x128xf32, #tpu.memory_space<hbm>> -> memref<10000x128xf32, #tpu.memory_space<hbm>>
      tpu.wait_indirect_dma semaphore(%arg13 : memref<!tpu.dma_semaphore, #tpu.memory_space<semaphore_mem>>) src(%dma_wait3A_152 : memref<10000x128xf32, #tpu.memory_space<hbm>>) dst(%dma_wait3A_147 : memref<40x128xf32, #tpu.memory_space<vmem>>)
      %dma_wait3A_153 = arith.constant 0 : i32
      %dma_wait3A_154 = arith.constant 0 : i32
      %dma_wait3A_155 = tpu.memref_slice %arg10[%dma_wait3A_153, %dma_wait3A_154] : memref<80x128xf32, #tpu.memory_space<vmem>> -> memref<40x128xf32, #tpu.memory_space<vmem>>
      %dma_wait3A_156 = arith.constant 0 : i32
      %dma_wait3A_157 = arith.constant 0 : i32
      %dma_wait3A_158 = tpu.memref_slice %arg5[%dma_wait3A_156, %dma_wait3A_157] : memref<320000x128xf32, #tpu.memory_space<hbm>> -> memref<40x128xf32, #tpu.memory_space<hbm>>
      %dma_wait3A_159 = arith.constant 0 : i32
      %dma_wait3A_160 = arith.constant 0 : i32
      %dma_wait3A_161 = tpu.memref_slice %arg10[%dma_wait3A_159, %dma_wait3A_160] : memref<80x128xf32, #tpu.memory_space<vmem>> -> memref<40x128xf32, #tpu.memory_space<vmem>>
      %dma_wait3A_162 = arith.constant 0 : i32
      %dma_wait3A_163 = arith.constant 0 : i32
      %dma_wait3A_164 = tpu.memref_slice %arg5[%dma_wait3A_162, %dma_wait3A_163] : memref<320000x128xf32, #tpu.memory_space<hbm>> -> memref<40x128xf32, #tpu.memory_space<hbm>>
      tpu.wait_dma2 semaphore(%arg15 : memref<!tpu.dma_semaphore, #tpu.memory_space<semaphore_mem>>) src(%dma_wait3A_164 : memref<40x128xf32, #tpu.memory_space<hbm>>) dst(%dma_wait3A_161 : memref<40x128xf32, #tpu.memory_space<vmem>>)
      %ge3A = arith.constant 2 : i32
      %ge3A_165 = arith.cmpi sge, %add3A_118, %ge3A : i32
      %convert_element_type3A = arith.extui %ge3A_165 : i1 to i32
      %cond3A = arith.constant 0 : i32
      %cond3A_166 = arith.cmpi ne, %convert_element_type3A, %cond3A : i32
      scf.if %cond3A_166 {
        %dma_wait3A_281 = arith.constant 0 : i32
        %dma_wait3A_282 = arith.constant 0 : i32
        %dma_wait3A_283 = tpu.memref_slice %arg11[%dma_wait3A_281, %dma_wait3A_282] : memref<80x128xf32, #tpu.memory_space<vmem>> -> memref<40x128xf32, #tpu.memory_space<vmem>>
        %dma_wait3A_284 = tpu.memref_slice %arg8[%add3A_144] : memref<6000xi32, #tpu.memory_space<vmem>> -> memref<40xi32, #tpu.memory_space<vmem>>
        %dma_wait3A_285 = arith.constant 0 : i32
        %dma_wait3A_286 = arith.constant 0 : i32
        %dma_wait3A_287 = tpu.memref_slice %arg12[%dma_wait3A_285, %dma_wait3A_286] : memref<10240x128xf32, #tpu.memory_space<vmem_shared>> -> memref<10240x128xf32, #tpu.memory_space<vmem_shared>>
        tpu.wait_indirect_dma semaphore(%arg17 : memref<!tpu.dma_semaphore, #tpu.memory_space<semaphore_mem>>) src(%dma_wait3A_283 : memref<40x128xf32, #tpu.memory_space<vmem>>) dst(%dma_wait3A_287 : memref<10240x128xf32, #tpu.memory_space<vmem_shared>>)
      } else {
      }
      %scan3A_167 = arith.constant 0 : i32
      %scan3A_168 = arith.constant 0 : i32
      %scan3A_169 = arith.constant 40 : i32
      %scan3A_170 = arith.addi %scan3A_168, %scan3A_169 : i32
      %scan3A_171 = arith.constant 1 : i32
      scf.for %scan3A_281 = %scan3A_168 to %scan3A_170 step %scan3A_171  : i32 {
        %add3A_282 = arith.constant 0 : i32
        %add3A_283 = arith.addi %add3A_282, %scan3A_281 : i32
        %get3A = arith.index_cast %add3A_283 : i32 to index
        %get3A_284 = arith.constant 0 : index
        %get3A_285 = tpu.vector_load %arg9[%get3A, %get3A_284] {strides = array<i32>} : memref<80x128xf32, #tpu.memory_space<vmem>>, vector<1x16xf32>,
        %get3A_286 = vector.shape_cast %get3A_285 : vector<1x16xf32> to vector<16xf32>
        %add3A_287 = arith.constant 0 : i32
        %add3A_288 = arith.addi %add3A_287, %scan3A_281 : i32
        %get3A_289 = arith.index_cast %add3A_288 : i32 to index
        %get3A_290 = arith.constant 0 : index
        %get3A_291 = tpu.vector_load %arg10[%get3A_289, %get3A_290] {strides = array<i32>} : memref<80x128xf32, #tpu.memory_space<vmem>>, vector<1x16xf32>,
        %get3A_292 = vector.shape_cast %get3A_291 : vector<1x16xf32> to vector<16xf32>
        %mul3A_293 = arith.mulf %get3A_286, %get3A_292 : vector<16xf32>
        %add3A_294 = arith.constant 0 : i32
        %add3A_295 = arith.addi %add3A_294, %scan3A_281 : i32
        %swap3A = arith.index_cast %add3A_295 : i32 to index
        %swap3A_296 = arith.constant 0 : index
        %swap3A_297 = tpu.vector_load %arg11[%swap3A, %swap3A_296] {strides = array<i32>} : memref<80x128xf32, #tpu.memory_space<vmem>>, vector<1x16xf32>,
        %swap3A_298 = vector.shape_cast %swap3A_297 : vector<1x16xf32> to vector<16xf32>
        %swap3A_299 = vector.shape_cast %mul3A_293 : vector<16xf32> to vector<1x16xf32>
        tpu.vector_store %arg11[%swap3A, %swap3A_296], %swap3A_299 {strides = array<i32>} : memref<80x128xf32, #tpu.memory_space<vmem>>, vector<1x16xf32>,
        %add3A_300 = arith.constant 0 : i32
        %add3A_301 = arith.addi %add3A_300, %scan3A_281 : i32
        %get3A_302 = arith.index_cast %add3A_301 : i32 to index
        %get3A_303 = arith.constant 16 : index
        %get3A_304 = tpu.vector_load %arg9[%get3A_302, %get3A_303] {strides = array<i32>} : memref<80x128xf32, #tpu.memory_space<vmem>>, vector<1x16xf32>,
        %get3A_305 = vector.shape_cast %get3A_304 : vector<1x16xf32> to vector<16xf32>
        %add3A_306 = arith.constant 0 : i32
        %add3A_307 = arith.addi %add3A_306, %scan3A_281 : i32
        %get3A_308 = arith.index_cast %add3A_307 : i32 to index
        %get3A_309 = arith.constant 16 : index
        %get3A_310 = tpu.vector_load %arg10[%get3A_308, %get3A_309] {strides = array<i32>} : memref<80x128xf32, #tpu.memory_space<vmem>>, vector<1x16xf32>,
        %get3A_311 = vector.shape_cast %get3A_310 : vector<1x16xf32> to vector<16xf32>
        %mul3A_312 = arith.mulf %get3A_305, %get3A_311 : vector<16xf32>
        %add3A_313 = arith.constant 0 : i32
        %add3A_314 = arith.addi %add3A_313, %scan3A_281 : i32
        %swap3A_315 = arith.index_cast %add3A_314 : i32 to index
        %swap3A_316 = arith.constant 16 : index
        %swap3A_317 = tpu.vector_load %arg11[%swap3A_315, %swap3A_316] {strides = array<i32>} : memref<80x128xf32, #tpu.memory_space<vmem>>, vector<1x16xf32>,
        %swap3A_318 = vector.shape_cast %swap3A_317 : vector<1x16xf32> to vector<16xf32>
        %swap3A_319 = vector.shape_cast %mul3A_312 : vector<16xf32> to vector<1x16xf32>
        tpu.vector_store %arg11[%swap3A_315, %swap3A_316], %swap3A_319 {strides = array<i32>} : memref<80x128xf32, #tpu.memory_space<vmem>>, vector<1x16xf32>,
        %add3A_320 = arith.constant 0 : i32
        %add3A_321 = arith.addi %add3A_320, %scan3A_281 : i32
        %get3A_322 = arith.index_cast %add3A_321 : i32 to index
        %get3A_323 = arith.constant 32 : index
        %get3A_324 = tpu.vector_load %arg9[%get3A_322, %get3A_323] {strides = array<i32>} : memref<80x128xf32, #tpu.memory_space<vmem>>, vector<1x16xf32>,
        %get3A_325 = vector.shape_cast %get3A_324 : vector<1x16xf32> to vector<16xf32>
        %add3A_326 = arith.constant 0 : i32
        %add3A_327 = arith.addi %add3A_326, %scan3A_281 : i32
        %get3A_328 = arith.index_cast %add3A_327 : i32 to index
        %get3A_329 = arith.constant 32 : index
        %get3A_330 = tpu.vector_load %arg10[%get3A_328, %get3A_329] {strides = array<i32>} : memref<80x128xf32, #tpu.memory_space<vmem>>, vector<1x16xf32>,
        %get3A_331 = vector.shape_cast %get3A_330 : vector<1x16xf32> to vector<16xf32>
        %mul3A_332 = arith.mulf %get3A_325, %get3A_331 : vector<16xf32>
        %add3A_333 = arith.constant 0 : i32
        %add3A_334 = arith.addi %add3A_333, %scan3A_281 : i32
        %swap3A_335 = arith.index_cast %add3A_334 : i32 to index
        %swap3A_336 = arith.constant 32 : index
        %swap3A_337 = tpu.vector_load %arg11[%swap3A_335, %swap3A_336] {strides = array<i32>} : memref<80x128xf32, #tpu.memory_space<vmem>>, vector<1x16xf32>,
        %swap3A_338 = vector.shape_cast %swap3A_337 : vector<1x16xf32> to vector<16xf32>
        %swap3A_339 = vector.shape_cast %mul3A_332 : vector<16xf32> to vector<1x16xf32>
        tpu.vector_store %arg11[%swap3A_335, %swap3A_336], %swap3A_339 {strides = array<i32>} : memref<80x128xf32, #tpu.memory_space<vmem>>, vector<1x16xf32>,
        %add3A_340 = arith.constant 0 : i32
        %add3A_341 = arith.addi %add3A_340, %scan3A_281 : i32
        %get3A_342 = arith.index_cast %add3A_341 : i32 to index
        %get3A_343 = arith.constant 48 : index
        %get3A_344 = tpu.vector_load %arg9[%get3A_342, %get3A_343] {strides = array<i32>} : memref<80x128xf32, #tpu.memory_space<vmem>>, vector<1x16xf32>,
        %get3A_345 = vector.shape_cast %get3A_344 : vector<1x16xf32> to vector<16xf32>
        %add3A_346 = arith.constant 0 : i32
        %add3A_347 = arith.addi %add3A_346, %scan3A_281 : i32
        %get3A_348 = arith.index_cast %add3A_347 : i32 to index
        %get3A_349 = arith.constant 48 : index
        %get3A_350 = tpu.vector_load %arg10[%get3A_348, %get3A_349] {strides = array<i32>} : memref<80x128xf32, #tpu.memory_space<vmem>>, vector<1x16xf32>,
        %get3A_351 = vector.shape_cast %get3A_350 : vector<1x16xf32> to vector<16xf32>
        %mul3A_352 = arith.mulf %get3A_345, %get3A_351 : vector<16xf32>
        %add3A_353 = arith.constant 0 : i32
        %add3A_354 = arith.addi %add3A_353, %scan3A_281 : i32
        %swap3A_355 = arith.index_cast %add3A_354 : i32 to index
        %swap3A_356 = arith.constant 48 : index
        %swap3A_357 = tpu.vector_load %arg11[%swap3A_355, %swap3A_356] {strides = array<i32>} : memref<80x128xf32, #tpu.memory_space<vmem>>, vector<1x16xf32>,
        %swap3A_358 = vector.shape_cast %swap3A_357 : vector<1x16xf32> to vector<16xf32>
        %swap3A_359 = vector.shape_cast %mul3A_352 : vector<16xf32> to vector<1x16xf32>
        tpu.vector_store %arg11[%swap3A_355, %swap3A_356], %swap3A_359 {strides = array<i32>} : memref<80x128xf32, #tpu.memory_space<vmem>>, vector<1x16xf32>,
        %add3A_360 = arith.constant 0 : i32
        %add3A_361 = arith.addi %add3A_360, %scan3A_281 : i32
        %get3A_362 = arith.index_cast %add3A_361 : i32 to index
        %get3A_363 = arith.constant 64 : index
        %get3A_364 = tpu.vector_load %arg9[%get3A_362, %get3A_363] {strides = array<i32>} : memref<80x128xf32, #tpu.memory_space<vmem>>, vector<1x16xf32>,
        %get3A_365 = vector.shape_cast %get3A_364 : vector<1x16xf32> to vector<16xf32>
        %add3A_366 = arith.constant 0 : i32
        %add3A_367 = arith.addi %add3A_366, %scan3A_281 : i32
        %get3A_368 = arith.index_cast %add3A_367 : i32 to index
        %get3A_369 = arith.constant 64 : index
        %get3A_370 = tpu.vector_load %arg10[%get3A_368, %get3A_369] {strides = array<i32>} : memref<80x128xf32, #tpu.memory_space<vmem>>, vector<1x16xf32>,
        %get3A_371 = vector.shape_cast %get3A_370 : vector<1x16xf32> to vector<16xf32>
        %mul3A_372 = arith.mulf %get3A_365, %get3A_371 : vector<16xf32>
        %add3A_373 = arith.constant 0 : i32
        %add3A_374 = arith.addi %add3A_373, %scan3A_281 : i32
        %swap3A_375 = arith.index_cast %add3A_374 : i32 to index
        %swap3A_376 = arith.constant 64 : index
        %swap3A_377 = tpu.vector_load %arg11[%swap3A_375, %swap3A_376] {strides = array<i32>} : memref<80x128xf32, #tpu.memory_space<vmem>>, vector<1x16xf32>,
        %swap3A_378 = vector.shape_cast %swap3A_377 : vector<1x16xf32> to vector<16xf32>
        %swap3A_379 = vector.shape_cast %mul3A_372 : vector<16xf32> to vector<1x16xf32>
        tpu.vector_store %arg11[%swap3A_375, %swap3A_376], %swap3A_379 {strides = array<i32>} : memref<80x128xf32, #tpu.memory_space<vmem>>, vector<1x16xf32>,
        %add3A_380 = arith.constant 0 : i32
        %add3A_381 = arith.addi %add3A_380, %scan3A_281 : i32
        %get3A_382 = arith.index_cast %add3A_381 : i32 to index
        %get3A_383 = arith.constant 80 : index
        %get3A_384 = tpu.vector_load %arg9[%get3A_382, %get3A_383] {strides = array<i32>} : memref<80x128xf32, #tpu.memory_space<vmem>>, vector<1x16xf32>,
        %get3A_385 = vector.shape_cast %get3A_384 : vector<1x16xf32> to vector<16xf32>
        %add3A_386 = arith.constant 0 : i32
        %add3A_387 = arith.addi %add3A_386, %scan3A_281 : i32
        %get3A_388 = arith.index_cast %add3A_387 : i32 to index
        %get3A_389 = arith.constant 80 : index
        %get3A_390 = tpu.vector_load %arg10[%get3A_388, %get3A_389] {strides = array<i32>} : memref<80x128xf32, #tpu.memory_space<vmem>>, vector<1x16xf32>,
        %get3A_391 = vector.shape_cast %get3A_390 : vector<1x16xf32> to vector<16xf32>
        %mul3A_392 = arith.mulf %get3A_385, %get3A_391 : vector<16xf32>
        %add3A_393 = arith.constant 0 : i32
        %add3A_394 = arith.addi %add3A_393, %scan3A_281 : i32
        %swap3A_395 = arith.index_cast %add3A_394 : i32 to index
        %swap3A_396 = arith.constant 80 : index
        %swap3A_397 = tpu.vector_load %arg11[%swap3A_395, %swap3A_396] {strides = array<i32>} : memref<80x128xf32, #tpu.memory_space<vmem>>, vector<1x16xf32>,
        %swap3A_398 = vector.shape_cast %swap3A_397 : vector<1x16xf32> to vector<16xf32>
        %swap3A_399 = vector.shape_cast %mul3A_392 : vector<16xf32> to vector<1x16xf32>
        tpu.vector_store %arg11[%swap3A_395, %swap3A_396], %swap3A_399 {strides = array<i32>} : memref<80x128xf32, #tpu.memory_space<vmem>>, vector<1x16xf32>,
        %add3A_400 = arith.constant 0 : i32
        %add3A_401 = arith.addi %add3A_400, %scan3A_281 : i32
        %get3A_402 = arith.index_cast %add3A_401 : i32 to index
        %get3A_403 = arith.constant 96 : index
        %get3A_404 = tpu.vector_load %arg9[%get3A_402, %get3A_403] {strides = array<i32>} : memref<80x128xf32, #tpu.memory_space<vmem>>, vector<1x16xf32>,
        %get3A_405 = vector.shape_cast %get3A_404 : vector<1x16xf32> to vector<16xf32>
        %add3A_406 = arith.constant 0 : i32
        %add3A_407 = arith.addi %add3A_406, %scan3A_281 : i32
        %get3A_408 = arith.index_cast %add3A_407 : i32 to index
        %get3A_409 = arith.constant 96 : index
        %get3A_410 = tpu.vector_load %arg10[%get3A_408, %get3A_409] {strides = array<i32>} : memref<80x128xf32, #tpu.memory_space<vmem>>, vector<1x16xf32>,
        %get3A_411 = vector.shape_cast %get3A_410 : vector<1x16xf32> to vector<16xf32>
        %mul3A_412 = arith.mulf %get3A_405, %get3A_411 : vector<16xf32>
        %add3A_413 = arith.constant 0 : i32
        %add3A_414 = arith.addi %add3A_413, %scan3A_281 : i32
        %swap3A_415 = arith.index_cast %add3A_414 : i32 to index
        %swap3A_416 = arith.constant 96 : index
        %swap3A_417 = tpu.vector_load %arg11[%swap3A_415, %swap3A_416] {strides = array<i32>} : memref<80x128xf32, #tpu.memory_space<vmem>>, vector<1x16xf32>,
        %swap3A_418 = vector.shape_cast %swap3A_417 : vector<1x16xf32> to vector<16xf32>
        %swap3A_419 = vector.shape_cast %mul3A_412 : vector<16xf32> to vector<1x16xf32>
        tpu.vector_store %arg11[%swap3A_415, %swap3A_416], %swap3A_419 {strides = array<i32>} : memref<80x128xf32, #tpu.memory_space<vmem>>, vector<1x16xf32>,
        %add3A_420 = arith.constant 0 : i32
        %add3A_421 = arith.addi %add3A_420, %scan3A_281 : i32
        %get3A_422 = arith.index_cast %add3A_421 : i32 to index
        %get3A_423 = arith.constant 112 : index
        %get3A_424 = tpu.vector_load %arg9[%get3A_422, %get3A_423] {strides = array<i32>} : memref<80x128xf32, #tpu.memory_space<vmem>>, vector<1x16xf32>,
        %get3A_425 = vector.shape_cast %get3A_424 : vector<1x16xf32> to vector<16xf32>
        %add3A_426 = arith.constant 0 : i32
        %add3A_427 = arith.addi %add3A_426, %scan3A_281 : i32
        %get3A_428 = arith.index_cast %add3A_427 : i32 to index
        %get3A_429 = arith.constant 112 : index
        %get3A_430 = tpu.vector_load %arg10[%get3A_428, %get3A_429] {strides = array<i32>} : memref<80x128xf32, #tpu.memory_space<vmem>>, vector<1x16xf32>,
        %get3A_431 = vector.shape_cast %get3A_430 : vector<1x16xf32> to vector<16xf32>
        %mul3A_432 = arith.mulf %get3A_425, %get3A_431 : vector<16xf32>
        %add3A_433 = arith.constant 0 : i32
        %add3A_434 = arith.addi %add3A_433, %scan3A_281 : i32
        %swap3A_435 = arith.index_cast %add3A_434 : i32 to index
        %swap3A_436 = arith.constant 112 : index
        %swap3A_437 = tpu.vector_load %arg11[%swap3A_435, %swap3A_436] {strides = array<i32>} : memref<80x128xf32, #tpu.memory_space<vmem>>, vector<1x16xf32>,
        %swap3A_438 = vector.shape_cast %swap3A_437 : vector<1x16xf32> to vector<16xf32>
        %swap3A_439 = vector.shape_cast %mul3A_432 : vector<16xf32> to vector<1x16xf32>
        tpu.vector_store %arg11[%swap3A_435, %swap3A_436], %swap3A_439 {strides = array<i32>} : memref<80x128xf32, #tpu.memory_space<vmem>>, vector<1x16xf32>,
      }
      %scan3A_172 = arith.constant 40 : i32
      %dma_start3A_173 = arith.constant 0 : i32
      %dma_start3A_174 = arith.constant 0 : i32
      %dma_start3A_175 = tpu.memref_slice %arg11[%dma_start3A_173, %dma_start3A_174] : memref<80x128xf32, #tpu.memory_space<vmem>> -> memref<40x128xf32, #tpu.memory_space<vmem>>
      %dma_start3A_176 = tpu.memref_slice %arg8[%add3A_144] : memref<6000xi32, #tpu.memory_space<vmem>> -> memref<40xi32, #tpu.memory_space<vmem>>
      %dma_start3A_177 = arith.constant 0 : i32
      %dma_start3A_178 = arith.constant 0 : i32
      %dma_start3A_179 = tpu.memref_slice %arg12[%dma_start3A_177, %dma_start3A_178] : memref<10240x128xf32, #tpu.memory_space<vmem_shared>> -> memref<10240x128xf32, #tpu.memory_space<vmem_shared>>
      tpu.enqueue_indirect_dma source(%dma_start3A_175 : memref<40x128xf32, #tpu.memory_space<vmem>>) target(%dma_start3A_179 : memref<10240x128xf32, #tpu.memory_space<vmem_shared>>) offsets(%dma_start3A_176 : memref<40xi32, #tpu.memory_space<vmem>>) semaphore(%arg17 : memref<!tpu.dma_semaphore, #tpu.memory_space<semaphore_mem>>) {add = true}
      %rem3A_180 = arith.constant 50 : i32
      %rem3A_181 = arith.remsi %add3A_118, %rem3A_180 : i32
      %eq3A = arith.constant 2 : i32
      %eq3A_182 = arith.cmpi eq, %rem3A_181, %eq3A : i32
      %convert_element_type3A_183 = arith.extui %eq3A_182 : i1 to i32
      %cond3A_184 = arith.constant 0 : i32
      %cond3A_185 = arith.cmpi ne, %convert_element_type3A_183, %cond3A_184 : i32
      scf.if %cond3A_185 {
        %jit3A_281 = arith.constant 50 : i32
        %div3A_282 = arith.divsi %add3A_118, %jit3A_281 : i32
        %sign3A_283 = arith.constant 0 : i32
        %sign3A_284 = arith.cmpi sgt, %add3A_118, %sign3A_283 : i32
        %sign3A_285 = arith.extui %sign3A_284 : i1 to i32
        %sign3A_286 = arith.constant 0 : i32
        %sign3A_287 = arith.cmpi slt, %add3A_118, %sign3A_286 : i32
        %sign3A_288 = arith.extui %sign3A_287 : i1 to i32
        %sign3A_289 = arith.subi %sign3A_285, %sign3A_288 : i32
        %sign3A_290 = arith.constant 0 : i32
        %sign3A_291 = arith.cmpi sgt, %jit3A_281, %sign3A_290 : i32
        %sign3A_292 = arith.extui %sign3A_291 : i1 to i32
        %sign3A_293 = arith.constant 0 : i32
        %sign3A_294 = arith.cmpi slt, %jit3A_281, %sign3A_293 : i32
        %sign3A_295 = arith.extui %sign3A_294 : i1 to i32
        %sign3A_296 = arith.subi %sign3A_292, %sign3A_295 : i32
        %ne3A_297 = arith.cmpi ne, %sign3A_289, %sign3A_296 : i32
        %rem3A_298 = arith.remsi %add3A_118, %jit3A_281 : i32
        %ne3A_299 = arith.constant 0 : i32
        %ne3A_300 = arith.cmpi ne, %rem3A_298, %ne3A_299 : i32
        %and3A_301 = arith.andi %ne3A_297, %ne3A_300 : i1
        %sub3A_302 = arith.constant 1 : i32
        %sub3A_303 = arith.subi %div3A_282, %sub3A_302 : i32
        %select_n3A_304 = arith.select %and3A_301, %sub3A_303, %div3A_282 : i32
        %add3A_305 = arith.constant 2 : i32
        %add3A_306 = arith.addi %select_n3A_304, %add3A_305 : i32
        %lt3A_307 = arith.constant 5 : i32
        %lt3A_308 = arith.cmpi slt, %add3A_306, %lt3A_307 : i32
        %convert_element_type3A_309 = arith.extui %lt3A_308 : i1 to i32
        %cond3A_310 = arith.constant 0 : i32
        %cond3A_311 = arith.cmpi ne, %convert_element_type3A_309, %cond3A_310 : i32
        scf.if %cond3A_311 {
          %mul3A_312 = arith.constant 2000 : i32
          %mul3A_313 = arith.muli %add3A_306, %mul3A_312 : i32
          %add3A_314 = arith.addi %mul3A_2, %mul3A_313 : i32
          %rem3A_315 = arith.constant 3 : i32
          %rem3A_316 = arith.remsi %add3A_306, %rem3A_315 : i32
          %mul3A_317 = arith.constant 2000 : i32
          %mul3A_318 = arith.muli %rem3A_316, %mul3A_317 : i32
          "tpu.region"() ({
            %run_scoped3A = tpu.sem_alloc : memref<!tpu.dma_semaphore, #tpu.memory_space<semaphore_mem>>
            %dma_start3A_319 = tpu.memref_slice %arg7[%mul3A_318] : memref<6000xi32, #tpu.memory_space<vmem>> -> memref<2000xi32, #tpu.memory_space<vmem>>
            %dma_start3A_320 = tpu.memref_slice %arg3[%add3A_314] : memref<320000xi32, #tpu.memory_space<hbm>> -> memref<2000xi32, #tpu.memory_space<hbm>>
            %dma_start3A_321 = tpu.memref_slice %arg7[%mul3A_318] : memref<6000xi32, #tpu.memory_space<vmem>> -> memref<2000xi32, #tpu.memory_space<vmem>>
            %dma_start3A_322 = tpu.memref_slice %arg3[%add3A_314] : memref<320000xi32, #tpu.memory_space<hbm>> -> memref<2000xi32, #tpu.memory_space<hbm>>
            tpu.enqueue_dma source(%dma_start3A_322 : memref<2000xi32, #tpu.memory_space<hbm>>) target(%dma_start3A_321 : memref<2000xi32, #tpu.memory_space<vmem>>) target_semaphore(%run_scoped3A : memref<!tpu.dma_semaphore, #tpu.memory_space<semaphore_mem>>)
            %dma_wait3A_323 = tpu.memref_slice %arg7[%mul3A_318] : memref<6000xi32, #tpu.memory_space<vmem>> -> memref<2000xi32, #tpu.memory_space<vmem>>
            %dma_wait3A_324 = tpu.memref_slice %arg3[%add3A_314] : memref<320000xi32, #tpu.memory_space<hbm>> -> memref<2000xi32, #tpu.memory_space<hbm>>
            %dma_wait3A_325 = tpu.memref_slice %arg7[%mul3A_318] : memref<6000xi32, #tpu.memory_space<vmem>> -> memref<2000xi32, #tpu.memory_space<vmem>>
            %dma_wait3A_326 = tpu.memref_slice %arg3[%add3A_314] : memref<320000xi32, #tpu.memory_space<hbm>> -> memref<2000xi32, #tpu.memory_space<hbm>>
            tpu.wait_dma2 semaphore(%run_scoped3A : memref<!tpu.dma_semaphore, #tpu.memory_space<semaphore_mem>>) src(%dma_wait3A_326 : memref<2000xi32, #tpu.memory_space<hbm>>) dst(%dma_wait3A_325 : memref<2000xi32, #tpu.memory_space<vmem>>)
            tpu.yield
          }) : () -> ()
          "tpu.region"() ({
            %run_scoped3A = tpu.sem_alloc : memref<!tpu.dma_semaphore, #tpu.memory_space<semaphore_mem>>
            %dma_start3A_319 = tpu.memref_slice %arg8[%mul3A_318] : memref<6000xi32, #tpu.memory_space<vmem>> -> memref<2000xi32, #tpu.memory_space<vmem>>
            %dma_start3A_320 = tpu.memref_slice %arg4[%add3A_314] : memref<320000xi32, #tpu.memory_space<hbm>> -> memref<2000xi32, #tpu.memory_space<hbm>>
            %dma_start3A_321 = tpu.memref_slice %arg8[%mul3A_318] : memref<6000xi32, #tpu.memory_space<vmem>> -> memref<2000xi32, #tpu.memory_space<vmem>>
            %dma_start3A_322 = tpu.memref_slice %arg4[%add3A_314] : memref<320000xi32, #tpu.memory_space<hbm>> -> memref<2000xi32, #tpu.memory_space<hbm>>
            tpu.enqueue_dma source(%dma_start3A_322 : memref<2000xi32, #tpu.memory_space<hbm>>) target(%dma_start3A_321 : memref<2000xi32, #tpu.memory_space<vmem>>) target_semaphore(%run_scoped3A : memref<!tpu.dma_semaphore, #tpu.memory_space<semaphore_mem>>)
            %dma_wait3A_323 = tpu.memref_slice %arg8[%mul3A_318] : memref<6000xi32, #tpu.memory_space<vmem>> -> memref<2000xi32, #tpu.memory_space<vmem>>
            %dma_wait3A_324 = tpu.memref_slice %arg4[%add3A_314] : memref<320000xi32, #tpu.memory_space<hbm>> -> memref<2000xi32, #tpu.memory_space<hbm>>
            %dma_wait3A_325 = tpu.memref_slice %arg8[%mul3A_318] : memref<6000xi32, #tpu.memory_space<vmem>> -> memref<2000xi32, #tpu.memory_space<vmem>>
            %dma_wait3A_326 = tpu.memref_slice %arg4[%add3A_314] : memref<320000xi32, #tpu.memory_space<hbm>> -> memref<2000xi32, #tpu.memory_space<hbm>>
            tpu.wait_dma2 semaphore(%run_scoped3A : memref<!tpu.dma_semaphore, #tpu.memory_space<semaphore_mem>>) src(%dma_wait3A_326 : memref<2000xi32, #tpu.memory_space<hbm>>) dst(%dma_wait3A_325 : memref<2000xi32, #tpu.memory_space<vmem>>)
            tpu.yield
          }) : () -> ()
        } else {
        }
      } else {
      }
      %add3A_186 = arith.constant 2 : i32
      %add3A_187 = arith.addi %add3A_118, %add3A_186 : i32
      %lt3A = arith.constant 250 : i32
      %lt3A_188 = arith.cmpi slt, %add3A_187, %lt3A : i32
      %convert_element_type3A_189 = arith.extui %lt3A_188 : i1 to i32
      %cond3A_190 = arith.constant 0 : i32
      %cond3A_191 = arith.cmpi ne, %convert_element_type3A_189, %cond3A_190 : i32
      scf.if %cond3A_191 {
        %add3A_281 = arith.constant 2 : i32
        %add3A_282 = arith.addi %add3A_118, %add3A_281 : i32
        %mul3A_283 = arith.constant 40 : i32
        %mul3A_284 = arith.muli %add3A_282, %mul3A_283 : i32
        %add3A_285 = arith.addi %mul3A_2, %mul3A_284 : i32
        %jit3A_286 = arith.constant 50 : i32
        %div3A_287 = arith.divsi %add3A_282, %jit3A_286 : i32
        %sign3A_288 = arith.constant 0 : i32
        %sign3A_289 = arith.cmpi sgt, %add3A_282, %sign3A_288 : i32
        %sign3A_290 = arith.extui %sign3A_289 : i1 to i32
        %sign3A_291 = arith.constant 0 : i32
        %sign3A_292 = arith.cmpi slt, %add3A_282, %sign3A_291 : i32
        %sign3A_293 = arith.extui %sign3A_292 : i1 to i32
        %sign3A_294 = arith.subi %sign3A_290, %sign3A_293 : i32
        %sign3A_295 = arith.constant 0 : i32
        %sign3A_296 = arith.cmpi sgt, %jit3A_286, %sign3A_295 : i32
        %sign3A_297 = arith.extui %sign3A_296 : i1 to i32
        %sign3A_298 = arith.constant 0 : i32
        %sign3A_299 = arith.cmpi slt, %jit3A_286, %sign3A_298 : i32
        %sign3A_300 = arith.extui %sign3A_299 : i1 to i32
        %sign3A_301 = arith.subi %sign3A_297, %sign3A_300 : i32
        %ne3A_302 = arith.cmpi ne, %sign3A_294, %sign3A_301 : i32
        %rem3A_303 = arith.remsi %add3A_282, %jit3A_286 : i32
        %ne3A_304 = arith.constant 0 : i32
        %ne3A_305 = arith.cmpi ne, %rem3A_303, %ne3A_304 : i32
        %and3A_306 = arith.andi %ne3A_302, %ne3A_305 : i1
        %sub3A_307 = arith.constant 1 : i32
        %sub3A_308 = arith.subi %div3A_287, %sub3A_307 : i32
        %select_n3A_309 = arith.select %and3A_306, %sub3A_308, %div3A_287 : i32
        %rem3A_310 = arith.constant 3 : i32
        %rem3A_311 = arith.remsi %select_n3A_309, %rem3A_310 : i32
        %mul3A_312 = arith.constant 2000 : i32
        %mul3A_313 = arith.muli %rem3A_311, %mul3A_312 : i32
        %rem3A_314 = arith.constant 50 : i32
        %rem3A_315 = arith.remsi %add3A_282, %rem3A_314 : i32
        %mul3A_316 = arith.constant 40 : i32
        %mul3A_317 = arith.muli %rem3A_315, %mul3A_316 : i32
        %add3A_318 = arith.addi %mul3A_313, %mul3A_317 : i32
        %dma_start3A_319 = arith.constant 0 : i32
        %dma_start3A_320 = arith.constant 0 : i32
        %dma_start3A_321 = tpu.memref_slice %arg9[%dma_start3A_319, %dma_start3A_320] : memref<80x128xf32, #tpu.memory_space<vmem>> -> memref<40x128xf32, #tpu.memory_space<vmem>>
        %dma_start3A_322 = tpu.memref_slice %arg7[%add3A_318] : memref<6000xi32, #tpu.memory_space<vmem>> -> memref<40xi32, #tpu.memory_space<vmem>>
        %dma_start3A_323 = arith.constant 0 : i32
        %dma_start3A_324 = arith.constant 0 : i32
        %dma_start3A_325 = tpu.memref_slice %arg2[%dma_start3A_323, %dma_start3A_324] : memref<10000x128xf32, #tpu.memory_space<hbm>> -> memref<10000x128xf32, #tpu.memory_space<hbm>>
        tpu.enqueue_indirect_dma source(%dma_start3A_325 : memref<10000x128xf32, #tpu.memory_space<hbm>>) target(%dma_start3A_321 : memref<40x128xf32, #tpu.memory_space<vmem>>) offsets(%dma_start3A_322 : memref<40xi32, #tpu.memory_space<vmem>>) semaphore(%arg13 : memref<!tpu.dma_semaphore, #tpu.memory_space<semaphore_mem>>)
        %dma_start3A_326 = arith.constant 0 : i32
        %dma_start3A_327 = arith.constant 0 : i32
        %dma_start3A_328 = tpu.memref_slice %arg10[%dma_start3A_326, %dma_start3A_327] : memref<80x128xf32, #tpu.memory_space<vmem>> -> memref<40x128xf32, #tpu.memory_space<vmem>>
        %dma_start3A_329 = arith.constant 0 : i32
        %dma_start3A_330 = tpu.memref_slice %arg5[%add3A_285, %dma_start3A_329] : memref<320000x128xf32, #tpu.memory_space<hbm>> -> memref<40x128xf32, #tpu.memory_space<hbm>>
        %dma_start3A_331 = arith.constant 0 : i32
        %dma_start3A_332 = arith.constant 0 : i32
        %dma_start3A_333 = tpu.memref_slice %arg10[%dma_start3A_331, %dma_start3A_332] : memref<80x128xf32, #tpu.memory_space<vmem>> -> memref<40x128xf32, #tpu.memory_space<vmem>>
        %dma_start3A_334 = arith.constant 0 : i32
        %dma_start3A_335 = tpu.memref_slice %arg5[%add3A_285, %dma_start3A_334] : memref<320000x128xf32, #tpu.memory_space<hbm>> -> memref<40x128xf32, #tpu.memory_space<hbm>>
        tpu.enqueue_dma source(%dma_start3A_335 : memref<40x128xf32, #tpu.memory_space<hbm>>) target(%dma_start3A_333 : memref<40x128xf32, #tpu.memory_space<vmem>>) target_semaphore(%arg15 : memref<!tpu.dma_semaphore, #tpu.memory_space<semaphore_mem>>)
      } else {
      }
      %mul3A_192 = arith.constant 2 : i32
      %mul3A_193 = arith.muli %mul3A_192, %scan3A_114 : i32
      %add3A_194 = arith.constant 1 : i32
      %add3A_195 = arith.addi %mul3A_193, %add3A_194 : i32
      %jit3A_196 = arith.constant 50 : i32
      %div3A_197 = arith.divsi %add3A_195, %jit3A_196 : i32
      %sign3A_198 = arith.constant 0 : i32
      %sign3A_199 = arith.cmpi sgt, %add3A_195, %sign3A_198 : i32
      %sign3A_200 = arith.extui %sign3A_199 : i1 to i32
      %sign3A_201 = arith.constant 0 : i32
      %sign3A_202 = arith.cmpi slt, %add3A_195, %sign3A_201 : i32
      %sign3A_203 = arith.extui %sign3A_202 : i1 to i32
      %sign3A_204 = arith.subi %sign3A_200, %sign3A_203 : i32
      %sign3A_205 = arith.constant 0 : i32
      %sign3A_206 = arith.cmpi sgt, %jit3A_196, %sign3A_205 : i32
      %sign3A_207 = arith.extui %sign3A_206 : i1 to i32
      %sign3A_208 = arith.constant 0 : i32
      %sign3A_209 = arith.cmpi slt, %jit3A_196, %sign3A_208 : i32
      %sign3A_210 = arith.extui %sign3A_209 : i1 to i32
      %sign3A_211 = arith.subi %sign3A_207, %sign3A_210 : i32
      %ne3A_212 = arith.cmpi ne, %sign3A_204, %sign3A_211 : i32
      %rem3A_213 = arith.remsi %add3A_195, %jit3A_196 : i32
      %ne3A_214 = arith.constant 0 : i32
      %ne3A_215 = arith.cmpi ne, %rem3A_213, %ne3A_214 : i32
      %and3A_216 = arith.andi %ne3A_212, %ne3A_215 : i1
      %sub3A_217 = arith.constant 1 : i32
      %sub3A_218 = arith.subi %div3A_197, %sub3A_217 : i32
      %select_n3A_219 = arith.select %and3A_216, %sub3A_218, %div3A_197 : i32
      %rem3A_220 = arith.constant 3 : i32
      %rem3A_221 = arith.remsi %select_n3A_219, %rem3A_220 : i32
      %mul3A_222 = arith.constant 2000 : i32
      %mul3A_223 = arith.muli %rem3A_221, %mul3A_222 : i32
      %rem3A_224 = arith.constant 50 : i32
      %rem3A_225 = arith.remsi %add3A_195, %rem3A_224 : i32
      %mul3A_226 = arith.constant 40 : i32
      %mul3A_227 = arith.muli %rem3A_225, %mul3A_226 : i32
      %add3A_228 = arith.addi %mul3A_223, %mul3A_227 : i32
      %dma_wait3A_229 = arith.constant 40 : i32
      %dma_wait3A_230 = arith.constant 0 : i32
      %dma_wait3A_231 = tpu.memref_slice %arg9[%dma_wait3A_229, %dma_wait3A_230] : memref<80x128xf32, #tpu.memory_space<vmem>> -> memref<40x128xf32, #tpu.memory_space<vmem>>
      %dma_wait3A_232 = arith.constant 40 : i32
      %dma_wait3A_233 = tpu.memref_slice %arg7[%dma_wait3A_232] : memref<6000xi32, #tpu.memory_space<vmem>> -> memref<40xi32, #tpu.memory_space<vmem>>
      %dma_wait3A_234 = arith.constant 0 : i32
      %dma_wait3A_235 = arith.constant 0 : i32
      %dma_wait3A_236 = tpu.memref_slice %arg2[%dma_wait3A_234, %dma_wait3A_235] : memref<10000x128xf32, #tpu.memory_space<hbm>> -> memref<10000x128xf32, #tpu.memory_space<hbm>>
      tpu.wait_indirect_dma semaphore(%arg14 : memref<!tpu.dma_semaphore, #tpu.memory_space<semaphore_mem>>) src(%dma_wait3A_236 : memref<10000x128xf32, #tpu.memory_space<hbm>>) dst(%dma_wait3A_231 : memref<40x128xf32, #tpu.memory_space<vmem>>)
      %dma_wait3A_237 = arith.constant 40 : i32
      %dma_wait3A_238 = arith.constant 0 : i32
      %dma_wait3A_239 = tpu.memref_slice %arg10[%dma_wait3A_237, %dma_wait3A_238] : memref<80x128xf32, #tpu.memory_space<vmem>> -> memref<40x128xf32, #tpu.memory_space<vmem>>
      %dma_wait3A_240 = arith.constant 0 : i32
      %dma_wait3A_241 = arith.constant 0 : i32
      %dma_wait3A_242 = tpu.memref_slice %arg5[%dma_wait3A_240, %dma_wait3A_241] : memref<320000x128xf32, #tpu.memory_space<hbm>> -> memref<40x128xf32, #tpu.memory_space<hbm>>
      %dma_wait3A_243 = arith.constant 40 : i32
      %dma_wait3A_244 = arith.constant 0 : i32
      %dma_wait3A_245 = tpu.memref_slice %arg10[%dma_wait3A_243, %dma_wait3A_244] : memref<80x128xf32, #tpu.memory_space<vmem>> -> memref<40x128xf32, #tpu.memory_space<vmem>>
      %dma_wait3A_246 = arith.constant 0 : i32
      %dma_wait3A_247 = arith.constant 0 : i32
      %dma_wait3A_248 = tpu.memref_slice %arg5[%dma_wait3A_246, %dma_wait3A_247] : memref<320000x128xf32, #tpu.memory_space<hbm>> -> memref<40x128xf32, #tpu.memory_space<hbm>>
      tpu.wait_dma2 semaphore(%arg16 : memref<!tpu.dma_semaphore, #tpu.memory_space<semaphore_mem>>) src(%dma_wait3A_248 : memref<40x128xf32, #tpu.memory_space<hbm>>) dst(%dma_wait3A_245 : memref<40x128xf32, #tpu.memory_space<vmem>>)
      %ge3A_249 = arith.constant 2 : i32
      %ge3A_250 = arith.cmpi sge, %add3A_195, %ge3A_249 : i32
      %convert_element_type3A_251 = arith.extui %ge3A_250 : i1 to i32
      %cond3A_252 = arith.constant 0 : i32
      %cond3A_253 = arith.cmpi ne, %convert_element_type3A_251, %cond3A_252 : i32
      scf.if %cond3A_253 {
        %dma_wait3A_281 = arith.constant 40 : i32
        %dma_wait3A_282 = arith.constant 0 : i32
        %dma_wait3A_283 = tpu.memref_slice %arg11[%dma_wait3A_281, %dma_wait3A_282] : memref<80x128xf32, #tpu.memory_space<vmem>> -> memref<40x128xf32, #tpu.memory_space<vmem>>
        %dma_wait3A_284 = tpu.memref_slice %arg8[%add3A_228] : memref<6000xi32, #tpu.memory_space<vmem>> -> memref<40xi32, #tpu.memory_space<vmem>>
        %dma_wait3A_285 = arith.constant 0 : i32
        %dma_wait3A_286 = arith.constant 0 : i32
        %dma_wait3A_287 = tpu.memref_slice %arg12[%dma_wait3A_285, %dma_wait3A_286] : memref<10240x128xf32, #tpu.memory_space<vmem_shared>> -> memref<10240x128xf32, #tpu.memory_space<vmem_shared>>
        tpu.wait_indirect_dma semaphore(%arg18 : memref<!tpu.dma_semaphore, #tpu.memory_space<semaphore_mem>>) src(%dma_wait3A_283 : memref<40x128xf32, #tpu.memory_space<vmem>>) dst(%dma_wait3A_287 : memref<10240x128xf32, #tpu.memory_space<vmem_shared>>)
      } else {
      }
      %scan3A_254 = arith.constant 0 : i32
      %scan3A_255 = arith.constant 0 : i32
      %scan3A_256 = arith.constant 40 : i32
      %scan3A_257 = arith.addi %scan3A_255, %scan3A_256 : i32
      %scan3A_258 = arith.constant 1 : i32
      scf.for %scan3A_281 = %scan3A_255 to %scan3A_257 step %scan3A_258  : i32 {
        %add3A_282 = arith.constant 40 : i32
        %add3A_283 = arith.addi %add3A_282, %scan3A_281 : i32
        %get3A = arith.index_cast %add3A_283 : i32 to index
        %get3A_284 = arith.constant 0 : index
        %get3A_285 = tpu.vector_load %arg9[%get3A, %get3A_284] {strides = array<i32>} : memref<80x128xf32, #tpu.memory_space<vmem>>, vector<1x16xf32>,
        %get3A_286 = vector.shape_cast %get3A_285 : vector<1x16xf32> to vector<16xf32>
        %add3A_287 = arith.constant 40 : i32
        %add3A_288 = arith.addi %add3A_287, %scan3A_281 : i32
        %get3A_289 = arith.index_cast %add3A_288 : i32 to index
        %get3A_290 = arith.constant 0 : index
        %get3A_291 = tpu.vector_load %arg10[%get3A_289, %get3A_290] {strides = array<i32>} : memref<80x128xf32, #tpu.memory_space<vmem>>, vector<1x16xf32>,
        %get3A_292 = vector.shape_cast %get3A_291 : vector<1x16xf32> to vector<16xf32>
        %mul3A_293 = arith.mulf %get3A_286, %get3A_292 : vector<16xf32>
        %add3A_294 = arith.constant 40 : i32
        %add3A_295 = arith.addi %add3A_294, %scan3A_281 : i32
        %swap3A = arith.index_cast %add3A_295 : i32 to index
        %swap3A_296 = arith.constant 0 : index
        %swap3A_297 = tpu.vector_load %arg11[%swap3A, %swap3A_296] {strides = array<i32>} : memref<80x128xf32, #tpu.memory_space<vmem>>, vector<1x16xf32>,
        %swap3A_298 = vector.shape_cast %swap3A_297 : vector<1x16xf32> to vector<16xf32>
        %swap3A_299 = vector.shape_cast %mul3A_293 : vector<16xf32> to vector<1x16xf32>
        tpu.vector_store %arg11[%swap3A, %swap3A_296], %swap3A_299 {strides = array<i32>} : memref<80x128xf32, #tpu.memory_space<vmem>>, vector<1x16xf32>,
        %add3A_300 = arith.constant 40 : i32
        %add3A_301 = arith.addi %add3A_300, %scan3A_281 : i32
        %get3A_302 = arith.index_cast %add3A_301 : i32 to index
        %get3A_303 = arith.constant 16 : index
        %get3A_304 = tpu.vector_load %arg9[%get3A_302, %get3A_303] {strides = array<i32>} : memref<80x128xf32, #tpu.memory_space<vmem>>, vector<1x16xf32>,
        %get3A_305 = vector.shape_cast %get3A_304 : vector<1x16xf32> to vector<16xf32>
        %add3A_306 = arith.constant 40 : i32
        %add3A_307 = arith.addi %add3A_306, %scan3A_281 : i32
        %get3A_308 = arith.index_cast %add3A_307 : i32 to index
        %get3A_309 = arith.constant 16 : index
        %get3A_310 = tpu.vector_load %arg10[%get3A_308, %get3A_309] {strides = array<i32>} : memref<80x128xf32, #tpu.memory_space<vmem>>, vector<1x16xf32>,
        %get3A_311 = vector.shape_cast %get3A_310 : vector<1x16xf32> to vector<16xf32>
        %mul3A_312 = arith.mulf %get3A_305, %get3A_311 : vector<16xf32>
        %add3A_313 = arith.constant 40 : i32
        %add3A_314 = arith.addi %add3A_313, %scan3A_281 : i32
        %swap3A_315 = arith.index_cast %add3A_314 : i32 to index
        %swap3A_316 = arith.constant 16 : index
        %swap3A_317 = tpu.vector_load %arg11[%swap3A_315, %swap3A_316] {strides = array<i32>} : memref<80x128xf32, #tpu.memory_space<vmem>>, vector<1x16xf32>,
        %swap3A_318 = vector.shape_cast %swap3A_317 : vector<1x16xf32> to vector<16xf32>
        %swap3A_319 = vector.shape_cast %mul3A_312 : vector<16xf32> to vector<1x16xf32>
        tpu.vector_store %arg11[%swap3A_315, %swap3A_316], %swap3A_319 {strides = array<i32>} : memref<80x128xf32, #tpu.memory_space<vmem>>, vector<1x16xf32>,
        %add3A_320 = arith.constant 40 : i32
        %add3A_321 = arith.addi %add3A_320, %scan3A_281 : i32
        %get3A_322 = arith.index_cast %add3A_321 : i32 to index
        %get3A_323 = arith.constant 32 : index
        %get3A_324 = tpu.vector_load %arg9[%get3A_322, %get3A_323] {strides = array<i32>} : memref<80x128xf32, #tpu.memory_space<vmem>>, vector<1x16xf32>,
        %get3A_325 = vector.shape_cast %get3A_324 : vector<1x16xf32> to vector<16xf32>
        %add3A_326 = arith.constant 40 : i32
        %add3A_327 = arith.addi %add3A_326, %scan3A_281 : i32
        %get3A_328 = arith.index_cast %add3A_327 : i32 to index
        %get3A_329 = arith.constant 32 : index
        %get3A_330 = tpu.vector_load %arg10[%get3A_328, %get3A_329] {strides = array<i32>} : memref<80x128xf32, #tpu.memory_space<vmem>>, vector<1x16xf32>,
        %get3A_331 = vector.shape_cast %get3A_330 : vector<1x16xf32> to vector<16xf32>
        %mul3A_332 = arith.mulf %get3A_325, %get3A_331 : vector<16xf32>
        %add3A_333 = arith.constant 40 : i32
        %add3A_334 = arith.addi %add3A_333, %scan3A_281 : i32
        %swap3A_335 = arith.index_cast %add3A_334 : i32 to index
        %swap3A_336 = arith.constant 32 : index
        %swap3A_337 = tpu.vector_load %arg11[%swap3A_335, %swap3A_336] {strides = array<i32>} : memref<80x128xf32, #tpu.memory_space<vmem>>, vector<1x16xf32>,
        %swap3A_338 = vector.shape_cast %swap3A_337 : vector<1x16xf32> to vector<16xf32>
        %swap3A_339 = vector.shape_cast %mul3A_332 : vector<16xf32> to vector<1x16xf32>
        tpu.vector_store %arg11[%swap3A_335, %swap3A_336], %swap3A_339 {strides = array<i32>} : memref<80x128xf32, #tpu.memory_space<vmem>>, vector<1x16xf32>,
        %add3A_340 = arith.constant 40 : i32
        %add3A_341 = arith.addi %add3A_340, %scan3A_281 : i32
        %get3A_342 = arith.index_cast %add3A_341 : i32 to index
        %get3A_343 = arith.constant 48 : index
        %get3A_344 = tpu.vector_load %arg9[%get3A_342, %get3A_343] {strides = array<i32>} : memref<80x128xf32, #tpu.memory_space<vmem>>, vector<1x16xf32>,
        %get3A_345 = vector.shape_cast %get3A_344 : vector<1x16xf32> to vector<16xf32>
        %add3A_346 = arith.constant 40 : i32
        %add3A_347 = arith.addi %add3A_346, %scan3A_281 : i32
        %get3A_348 = arith.index_cast %add3A_347 : i32 to index
        %get3A_349 = arith.constant 48 : index
        %get3A_350 = tpu.vector_load %arg10[%get3A_348, %get3A_349] {strides = array<i32>} : memref<80x128xf32, #tpu.memory_space<vmem>>, vector<1x16xf32>,
        %get3A_351 = vector.shape_cast %get3A_350 : vector<1x16xf32> to vector<16xf32>
        %mul3A_352 = arith.mulf %get3A_345, %get3A_351 : vector<16xf32>
        %add3A_353 = arith.constant 40 : i32
        %add3A_354 = arith.addi %add3A_353, %scan3A_281 : i32
        %swap3A_355 = arith.index_cast %add3A_354 : i32 to index
        %swap3A_356 = arith.constant 48 : index
        %swap3A_357 = tpu.vector_load %arg11[%swap3A_355, %swap3A_356] {strides = array<i32>} : memref<80x128xf32, #tpu.memory_space<vmem>>, vector<1x16xf32>,
        %swap3A_358 = vector.shape_cast %swap3A_357 : vector<1x16xf32> to vector<16xf32>
        %swap3A_359 = vector.shape_cast %mul3A_352 : vector<16xf32> to vector<1x16xf32>
        tpu.vector_store %arg11[%swap3A_355, %swap3A_356], %swap3A_359 {strides = array<i32>} : memref<80x128xf32, #tpu.memory_space<vmem>>, vector<1x16xf32>,
        %add3A_360 = arith.constant 40 : i32
        %add3A_361 = arith.addi %add3A_360, %scan3A_281 : i32
        %get3A_362 = arith.index_cast %add3A_361 : i32 to index
        %get3A_363 = arith.constant 64 : index
        %get3A_364 = tpu.vector_load %arg9[%get3A_362, %get3A_363] {strides = array<i32>} : memref<80x128xf32, #tpu.memory_space<vmem>>, vector<1x16xf32>,
        %get3A_365 = vector.shape_cast %get3A_364 : vector<1x16xf32> to vector<16xf32>
        %add3A_366 = arith.constant 40 : i32
        %add3A_367 = arith.addi %add3A_366, %scan3A_281 : i32
        %get3A_368 = arith.index_cast %add3A_367 : i32 to index
        %get3A_369 = arith.constant 64 : index
        %get3A_370 = tpu.vector_load %arg10[%get3A_368, %get3A_369] {strides = array<i32>} : memref<80x128xf32, #tpu.memory_space<vmem>>, vector<1x16xf32>,
        %get3A_371 = vector.shape_cast %get3A_370 : vector<1x16xf32> to vector<16xf32>
        %mul3A_372 = arith.mulf %get3A_365, %get3A_371 : vector<16xf32>
        %add3A_373 = arith.constant 40 : i32
        %add3A_374 = arith.addi %add3A_373, %scan3A_281 : i32
        %swap3A_375 = arith.index_cast %add3A_374 : i32 to index
        %swap3A_376 = arith.constant 64 : index
        %swap3A_377 = tpu.vector_load %arg11[%swap3A_375, %swap3A_376] {strides = array<i32>} : memref<80x128xf32, #tpu.memory_space<vmem>>, vector<1x16xf32>,
        %swap3A_378 = vector.shape_cast %swap3A_377 : vector<1x16xf32> to vector<16xf32>
        %swap3A_379 = vector.shape_cast %mul3A_372 : vector<16xf32> to vector<1x16xf32>
        tpu.vector_store %arg11[%swap3A_375, %swap3A_376], %swap3A_379 {strides = array<i32>} : memref<80x128xf32, #tpu.memory_space<vmem>>, vector<1x16xf32>,
        %add3A_380 = arith.constant 40 : i32
        %add3A_381 = arith.addi %add3A_380, %scan3A_281 : i32
        %get3A_382 = arith.index_cast %add3A_381 : i32 to index
        %get3A_383 = arith.constant 80 : index
        %get3A_384 = tpu.vector_load %arg9[%get3A_382, %get3A_383] {strides = array<i32>} : memref<80x128xf32, #tpu.memory_space<vmem>>, vector<1x16xf32>,
        %get3A_385 = vector.shape_cast %get3A_384 : vector<1x16xf32> to vector<16xf32>
        %add3A_386 = arith.constant 40 : i32
        %add3A_387 = arith.addi %add3A_386, %scan3A_281 : i32
        %get3A_388 = arith.index_cast %add3A_387 : i32 to index
        %get3A_389 = arith.constant 80 : index
        %get3A_390 = tpu.vector_load %arg10[%get3A_388, %get3A_389] {strides = array<i32>} : memref<80x128xf32, #tpu.memory_space<vmem>>, vector<1x16xf32>,
        %get3A_391 = vector.shape_cast %get3A_390 : vector<1x16xf32> to vector<16xf32>
        %mul3A_392 = arith.mulf %get3A_385, %get3A_391 : vector<16xf32>
        %add3A_393 = arith.constant 40 : i32
        %add3A_394 = arith.addi %add3A_393, %scan3A_281 : i32
        %swap3A_395 = arith.index_cast %add3A_394 : i32 to index
        %swap3A_396 = arith.constant 80 : index
        %swap3A_397 = tpu.vector_load %arg11[%swap3A_395, %swap3A_396] {strides = array<i32>} : memref<80x128xf32, #tpu.memory_space<vmem>>, vector<1x16xf32>,
        %swap3A_398 = vector.shape_cast %swap3A_397 : vector<1x16xf32> to vector<16xf32>
        %swap3A_399 = vector.shape_cast %mul3A_392 : vector<16xf32> to vector<1x16xf32>
        tpu.vector_store %arg11[%swap3A_395, %swap3A_396], %swap3A_399 {strides = array<i32>} : memref<80x128xf32, #tpu.memory_space<vmem>>, vector<1x16xf32>,
        %add3A_400 = arith.constant 40 : i32
        %add3A_401 = arith.addi %add3A_400, %scan3A_281 : i32
        %get3A_402 = arith.index_cast %add3A_401 : i32 to index
        %get3A_403 = arith.constant 96 : index
        %get3A_404 = tpu.vector_load %arg9[%get3A_402, %get3A_403] {strides = array<i32>} : memref<80x128xf32, #tpu.memory_space<vmem>>, vector<1x16xf32>,
        %get3A_405 = vector.shape_cast %get3A_404 : vector<1x16xf32> to vector<16xf32>
        %add3A_406 = arith.constant 40 : i32
        %add3A_407 = arith.addi %add3A_406, %scan3A_281 : i32
        %get3A_408 = arith.index_cast %add3A_407 : i32 to index
        %get3A_409 = arith.constant 96 : index
        %get3A_410 = tpu.vector_load %arg10[%get3A_408, %get3A_409] {strides = array<i32>} : memref<80x128xf32, #tpu.memory_space<vmem>>, vector<1x16xf32>,
        %get3A_411 = vector.shape_cast %get3A_410 : vector<1x16xf32> to vector<16xf32>
        %mul3A_412 = arith.mulf %get3A_405, %get3A_411 : vector<16xf32>
        %add3A_413 = arith.constant 40 : i32
        %add3A_414 = arith.addi %add3A_413, %scan3A_281 : i32
        %swap3A_415 = arith.index_cast %add3A_414 : i32 to index
        %swap3A_416 = arith.constant 96 : index
        %swap3A_417 = tpu.vector_load %arg11[%swap3A_415, %swap3A_416] {strides = array<i32>} : memref<80x128xf32, #tpu.memory_space<vmem>>, vector<1x16xf32>,
        %swap3A_418 = vector.shape_cast %swap3A_417 : vector<1x16xf32> to vector<16xf32>
        %swap3A_419 = vector.shape_cast %mul3A_412 : vector<16xf32> to vector<1x16xf32>
        tpu.vector_store %arg11[%swap3A_415, %swap3A_416], %swap3A_419 {strides = array<i32>} : memref<80x128xf32, #tpu.memory_space<vmem>>, vector<1x16xf32>,
        %add3A_420 = arith.constant 40 : i32
        %add3A_421 = arith.addi %add3A_420, %scan3A_281 : i32
        %get3A_422 = arith.index_cast %add3A_421 : i32 to index
        %get3A_423 = arith.constant 112 : index
        %get3A_424 = tpu.vector_load %arg9[%get3A_422, %get3A_423] {strides = array<i32>} : memref<80x128xf32, #tpu.memory_space<vmem>>, vector<1x16xf32>,
        %get3A_425 = vector.shape_cast %get3A_424 : vector<1x16xf32> to vector<16xf32>
        %add3A_426 = arith.constant 40 : i32
        %add3A_427 = arith.addi %add3A_426, %scan3A_281 : i32
        %get3A_428 = arith.index_cast %add3A_427 : i32 to index
        %get3A_429 = arith.constant 112 : index
        %get3A_430 = tpu.vector_load %arg10[%get3A_428, %get3A_429] {strides = array<i32>} : memref<80x128xf32, #tpu.memory_space<vmem>>, vector<1x16xf32>,
        %get3A_431 = vector.shape_cast %get3A_430 : vector<1x16xf32> to vector<16xf32>
        %mul3A_432 = arith.mulf %get3A_425, %get3A_431 : vector<16xf32>
        %add3A_433 = arith.constant 40 : i32
        %add3A_434 = arith.addi %add3A_433, %scan3A_281 : i32
        %swap3A_435 = arith.index_cast %add3A_434 : i32 to index
        %swap3A_436 = arith.constant 112 : index
        %swap3A_437 = tpu.vector_load %arg11[%swap3A_435, %swap3A_436] {strides = array<i32>} : memref<80x128xf32, #tpu.memory_space<vmem>>, vector<1x16xf32>,
        %swap3A_438 = vector.shape_cast %swap3A_437 : vector<1x16xf32> to vector<16xf32>
        %swap3A_439 = vector.shape_cast %mul3A_432 : vector<16xf32> to vector<1x16xf32>
        tpu.vector_store %arg11[%swap3A_435, %swap3A_436], %swap3A_439 {strides = array<i32>} : memref<80x128xf32, #tpu.memory_space<vmem>>, vector<1x16xf32>,
      }
      %scan3A_259 = arith.constant 40 : i32
      %dma_start3A_260 = arith.constant 40 : i32
      %dma_start3A_261 = arith.constant 0 : i32
      %dma_start3A_262 = tpu.memref_slice %arg11[%dma_start3A_260, %dma_start3A_261] : memref<80x128xf32, #tpu.memory_space<vmem>> -> memref<40x128xf32, #tpu.memory_space<vmem>>
      %dma_start3A_263 = tpu.memref_slice %arg8[%add3A_228] : memref<6000xi32, #tpu.memory_space<vmem>> -> memref<40xi32, #tpu.memory_space<vmem>>
      %dma_start3A_264 = arith.constant 0 : i32
      %dma_start3A_265 = arith.constant 0 : i32
      %dma_start3A_266 = tpu.memref_slice %arg12[%dma_start3A_264, %dma_start3A_265] : memref<10240x128xf32, #tpu.memory_space<vmem_shared>> -> memref<10240x128xf32, #tpu.memory_space<vmem_shared>>
      tpu.enqueue_indirect_dma source(%dma_start3A_262 : memref<40x128xf32, #tpu.memory_space<vmem>>) target(%dma_start3A_266 : memref<10240x128xf32, #tpu.memory_space<vmem_shared>>) offsets(%dma_start3A_263 : memref<40xi32, #tpu.memory_space<vmem>>) semaphore(%arg18 : memref<!tpu.dma_semaphore, #tpu.memory_space<semaphore_mem>>) {add = true}
      %rem3A_267 = arith.constant 50 : i32
      %rem3A_268 = arith.remsi %add3A_195, %rem3A_267 : i32
      %eq3A_269 = arith.constant 2 : i32
      %eq3A_270 = arith.cmpi eq, %rem3A_268, %eq3A_269 : i32
      %convert_element_type3A_271 = arith.extui %eq3A_270 : i1 to i32
      %cond3A_272 = arith.constant 0 : i32
      %cond3A_273 = arith.cmpi ne, %convert_element_type3A_271, %cond3A_272 : i32
      scf.if %cond3A_273 {
        %jit3A_281 = arith.constant 50 : i32
        %div3A_282 = arith.divsi %add3A_195, %jit3A_281 : i32
        %sign3A_283 = arith.constant 0 : i32
        %sign3A_284 = arith.cmpi sgt, %add3A_195, %sign3A_283 : i32
        %sign3A_285 = arith.extui %sign3A_284 : i1 to i32
        %sign3A_286 = arith.constant 0 : i32
        %sign3A_287 = arith.cmpi slt, %add3A_195, %sign3A_286 : i32
        %sign3A_288 = arith.extui %sign3A_287 : i1 to i32
        %sign3A_289 = arith.subi %sign3A_285, %sign3A_288 : i32
        %sign3A_290 = arith.constant 0 : i32
        %sign3A_291 = arith.cmpi sgt, %jit3A_281, %sign3A_290 : i32
        %sign3A_292 = arith.extui %sign3A_291 : i1 to i32
        %sign3A_293 = arith.constant 0 : i32
        %sign3A_294 = arith.cmpi slt, %jit3A_281, %sign3A_293 : i32
        %sign3A_295 = arith.extui %sign3A_294 : i1 to i32
        %sign3A_296 = arith.subi %sign3A_292, %sign3A_295 : i32
        %ne3A_297 = arith.cmpi ne, %sign3A_289, %sign3A_296 : i32
        %rem3A_298 = arith.remsi %add3A_195, %jit3A_281 : i32
        %ne3A_299 = arith.constant 0 : i32
        %ne3A_300 = arith.cmpi ne, %rem3A_298, %ne3A_299 : i32
        %and3A_301 = arith.andi %ne3A_297, %ne3A_300 : i1
        %sub3A_302 = arith.constant 1 : i32
        %sub3A_303 = arith.subi %div3A_282, %sub3A_302 : i32
        %select_n3A_304 = arith.select %and3A_301, %sub3A_303, %div3A_282 : i32
        %add3A_305 = arith.constant 2 : i32
        %add3A_306 = arith.addi %select_n3A_304, %add3A_305 : i32
        %lt3A_307 = arith.constant 5 : i32
        %lt3A_308 = arith.cmpi slt, %add3A_306, %lt3A_307 : i32
        %convert_element_type3A_309 = arith.extui %lt3A_308 : i1 to i32
        %cond3A_310 = arith.constant 0 : i32
        %cond3A_311 = arith.cmpi ne, %convert_element_type3A_309, %cond3A_310 : i32
        scf.if %cond3A_311 {
          %mul3A_312 = arith.constant 2000 : i32
          %mul3A_313 = arith.muli %add3A_306, %mul3A_312 : i32
          %add3A_314 = arith.addi %mul3A_2, %mul3A_313 : i32
          %rem3A_315 = arith.constant 3 : i32
          %rem3A_316 = arith.remsi %add3A_306, %rem3A_315 : i32
          %mul3A_317 = arith.constant 2000 : i32
          %mul3A_318 = arith.muli %rem3A_316, %mul3A_317 : i32
          "tpu.region"() ({
            %run_scoped3A = tpu.sem_alloc : memref<!tpu.dma_semaphore, #tpu.memory_space<semaphore_mem>>
            %dma_start3A_319 = tpu.memref_slice %arg7[%mul3A_318] : memref<6000xi32, #tpu.memory_space<vmem>> -> memref<2000xi32, #tpu.memory_space<vmem>>
            %dma_start3A_320 = tpu.memref_slice %arg3[%add3A_314] : memref<320000xi32, #tpu.memory_space<hbm>> -> memref<2000xi32, #tpu.memory_space<hbm>>
            %dma_start3A_321 = tpu.memref_slice %arg7[%mul3A_318] : memref<6000xi32, #tpu.memory_space<vmem>> -> memref<2000xi32, #tpu.memory_space<vmem>>
            %dma_start3A_322 = tpu.memref_slice %arg3[%add3A_314] : memref<320000xi32, #tpu.memory_space<hbm>> -> memref<2000xi32, #tpu.memory_space<hbm>>
            tpu.enqueue_dma source(%dma_start3A_322 : memref<2000xi32, #tpu.memory_space<hbm>>) target(%dma_start3A_321 : memref<2000xi32, #tpu.memory_space<vmem>>) target_semaphore(%run_scoped3A : memref<!tpu.dma_semaphore, #tpu.memory_space<semaphore_mem>>)
            %dma_wait3A_323 = tpu.memref_slice %arg7[%mul3A_318] : memref<6000xi32, #tpu.memory_space<vmem>> -> memref<2000xi32, #tpu.memory_space<vmem>>
            %dma_wait3A_324 = tpu.memref_slice %arg3[%add3A_314] : memref<320000xi32, #tpu.memory_space<hbm>> -> memref<2000xi32, #tpu.memory_space<hbm>>
            %dma_wait3A_325 = tpu.memref_slice %arg7[%mul3A_318] : memref<6000xi32, #tpu.memory_space<vmem>> -> memref<2000xi32, #tpu.memory_space<vmem>>
            %dma_wait3A_326 = tpu.memref_slice %arg3[%add3A_314] : memref<320000xi32, #tpu.memory_space<hbm>> -> memref<2000xi32, #tpu.memory_space<hbm>>
            tpu.wait_dma2 semaphore(%run_scoped3A : memref<!tpu.dma_semaphore, #tpu.memory_space<semaphore_mem>>) src(%dma_wait3A_326 : memref<2000xi32, #tpu.memory_space<hbm>>) dst(%dma_wait3A_325 : memref<2000xi32, #tpu.memory_space<vmem>>)
            tpu.yield
          }) : () -> ()
          "tpu.region"() ({
            %run_scoped3A = tpu.sem_alloc : memref<!tpu.dma_semaphore, #tpu.memory_space<semaphore_mem>>
            %dma_start3A_319 = tpu.memref_slice %arg8[%mul3A_318] : memref<6000xi32, #tpu.memory_space<vmem>> -> memref<2000xi32, #tpu.memory_space<vmem>>
            %dma_start3A_320 = tpu.memref_slice %arg4[%add3A_314] : memref<320000xi32, #tpu.memory_space<hbm>> -> memref<2000xi32, #tpu.memory_space<hbm>>
            %dma_start3A_321 = tpu.memref_slice %arg8[%mul3A_318] : memref<6000xi32, #tpu.memory_space<vmem>> -> memref<2000xi32, #tpu.memory_space<vmem>>
            %dma_start3A_322 = tpu.memref_slice %arg4[%add3A_314] : memref<320000xi32, #tpu.memory_space<hbm>> -> memref<2000xi32, #tpu.memory_space<hbm>>
            tpu.enqueue_dma source(%dma_start3A_322 : memref<2000xi32, #tpu.memory_space<hbm>>) target(%dma_start3A_321 : memref<2000xi32, #tpu.memory_space<vmem>>) target_semaphore(%run_scoped3A : memref<!tpu.dma_semaphore, #tpu.memory_space<semaphore_mem>>)
            %dma_wait3A_323 = tpu.memref_slice %arg8[%mul3A_318] : memref<6000xi32, #tpu.memory_space<vmem>> -> memref<2000xi32, #tpu.memory_space<vmem>>
            %dma_wait3A_324 = tpu.memref_slice %arg4[%add3A_314] : memref<320000xi32, #tpu.memory_space<hbm>> -> memref<2000xi32, #tpu.memory_space<hbm>>
            %dma_wait3A_325 = tpu.memref_slice %arg8[%mul3A_318] : memref<6000xi32, #tpu.memory_space<vmem>> -> memref<2000xi32, #tpu.memory_space<vmem>>
            %dma_wait3A_326 = tpu.memref_slice %arg4[%add3A_314] : memref<320000xi32, #tpu.memory_space<hbm>> -> memref<2000xi32, #tpu.memory_space<hbm>>
            tpu.wait_dma2 semaphore(%run_scoped3A : memref<!tpu.dma_semaphore, #tpu.memory_space<semaphore_mem>>) src(%dma_wait3A_326 : memref<2000xi32, #tpu.memory_space<hbm>>) dst(%dma_wait3A_325 : memref<2000xi32, #tpu.memory_space<vmem>>)
            tpu.yield
          }) : () -> ()
        } else {
        }
      } else {
      }
      %add3A_274 = arith.constant 2 : i32
      %add3A_275 = arith.addi %add3A_195, %add3A_274 : i32
      %lt3A_276 = arith.constant 250 : i32
      %lt3A_277 = arith.cmpi slt, %add3A_275, %lt3A_276 : i32
      %convert_element_type3A_278 = arith.extui %lt3A_277 : i1 to i32
      %cond3A_279 = arith.constant 0 : i32
      %cond3A_280 = arith.cmpi ne, %convert_element_type3A_278, %cond3A_279 : i32
      scf.if %cond3A_280 {
        %add3A_281 = arith.constant 2 : i32
        %add3A_282 = arith.addi %add3A_195, %add3A_281 : i32
        %mul3A_283 = arith.constant 40 : i32
        %mul3A_284 = arith.muli %add3A_282, %mul3A_283 : i32
        %add3A_285 = arith.addi %mul3A_2, %mul3A_284 : i32
        %jit3A_286 = arith.constant 50 : i32
        %div3A_287 = arith.divsi %add3A_282, %jit3A_286 : i32
        %sign3A_288 = arith.constant 0 : i32
        %sign3A_289 = arith.cmpi sgt, %add3A_282, %sign3A_288 : i32
        %sign3A_290 = arith.extui %sign3A_289 : i1 to i32
        %sign3A_291 = arith.constant 0 : i32
        %sign3A_292 = arith.cmpi slt, %add3A_282, %sign3A_291 : i32
        %sign3A_293 = arith.extui %sign3A_292 : i1 to i32
        %sign3A_294 = arith.subi %sign3A_290, %sign3A_293 : i32
        %sign3A_295 = arith.constant 0 : i32
        %sign3A_296 = arith.cmpi sgt, %jit3A_286, %sign3A_295 : i32
        %sign3A_297 = arith.extui %sign3A_296 : i1 to i32
        %sign3A_298 = arith.constant 0 : i32
        %sign3A_299 = arith.cmpi slt, %jit3A_286, %sign3A_298 : i32
        %sign3A_300 = arith.extui %sign3A_299 : i1 to i32
        %sign3A_301 = arith.subi %sign3A_297, %sign3A_300 : i32
        %ne3A_302 = arith.cmpi ne, %sign3A_294, %sign3A_301 : i32
        %rem3A_303 = arith.remsi %add3A_282, %jit3A_286 : i32
        %ne3A_304 = arith.constant 0 : i32
        %ne3A_305 = arith.cmpi ne, %rem3A_303, %ne3A_304 : i32
        %and3A_306 = arith.andi %ne3A_302, %ne3A_305 : i1
        %sub3A_307 = arith.constant 1 : i32
        %sub3A_308 = arith.subi %div3A_287, %sub3A_307 : i32
        %select_n3A_309 = arith.select %and3A_306, %sub3A_308, %div3A_287 : i32
        %rem3A_310 = arith.constant 3 : i32
        %rem3A_311 = arith.remsi %select_n3A_309, %rem3A_310 : i32
        %mul3A_312 = arith.constant 2000 : i32
        %mul3A_313 = arith.muli %rem3A_311, %mul3A_312 : i32
        %rem3A_314 = arith.constant 50 : i32
        %rem3A_315 = arith.remsi %add3A_282, %rem3A_314 : i32
        %mul3A_316 = arith.constant 40 : i32
        %mul3A_317 = arith.muli %rem3A_315, %mul3A_316 : i32
        %add3A_318 = arith.addi %mul3A_313, %mul3A_317 : i32
        %dma_start3A_319 = arith.constant 40 : i32
        %dma_start3A_320 = arith.constant 0 : i32
        %dma_start3A_321 = tpu.memref_slice %arg9[%dma_start3A_319, %dma_start3A_320] : memref<80x128xf32, #tpu.memory_space<vmem>> -> memref<40x128xf32, #tpu.memory_space<vmem>>
        %dma_start3A_322 = tpu.memref_slice %arg7[%add3A_318] : memref<6000xi32, #tpu.memory_space<vmem>> -> memref<40xi32, #tpu.memory_space<vmem>>
        %dma_start3A_323 = arith.constant 0 : i32
        %dma_start3A_324 = arith.constant 0 : i32
        %dma_start3A_325 = tpu.memref_slice %arg2[%dma_start3A_323, %dma_start3A_324] : memref<10000x128xf32, #tpu.memory_space<hbm>> -> memref<10000x128xf32, #tpu.memory_space<hbm>>
        tpu.enqueue_indirect_dma source(%dma_start3A_325 : memref<10000x128xf32, #tpu.memory_space<hbm>>) target(%dma_start3A_321 : memref<40x128xf32, #tpu.memory_space<vmem>>) offsets(%dma_start3A_322 : memref<40xi32, #tpu.memory_space<vmem>>) semaphore(%arg14 : memref<!tpu.dma_semaphore, #tpu.memory_space<semaphore_mem>>)
        %dma_start3A_326 = arith.constant 40 : i32
        %dma_start3A_327 = arith.constant 0 : i32
        %dma_start3A_328 = tpu.memref_slice %arg10[%dma_start3A_326, %dma_start3A_327] : memref<80x128xf32, #tpu.memory_space<vmem>> -> memref<40x128xf32, #tpu.memory_space<vmem>>
        %dma_start3A_329 = arith.constant 0 : i32
        %dma_start3A_330 = tpu.memref_slice %arg5[%add3A_285, %dma_start3A_329] : memref<320000x128xf32, #tpu.memory_space<hbm>> -> memref<40x128xf32, #tpu.memory_space<hbm>>
        %dma_start3A_331 = arith.constant 40 : i32
        %dma_start3A_332 = arith.constant 0 : i32
        %dma_start3A_333 = tpu.memref_slice %arg10[%dma_start3A_331, %dma_start3A_332] : memref<80x128xf32, #tpu.memory_space<vmem>> -> memref<40x128xf32, #tpu.memory_space<vmem>>
        %dma_start3A_334 = arith.constant 0 : i32
        %dma_start3A_335 = tpu.memref_slice %arg5[%add3A_285, %dma_start3A_334] : memref<320000x128xf32, #tpu.memory_space<hbm>> -> memref<40x128xf32, #tpu.memory_space<hbm>>
        tpu.enqueue_dma source(%dma_start3A_335 : memref<40x128xf32, #tpu.memory_space<hbm>>) target(%dma_start3A_333 : memref<40x128xf32, #tpu.memory_space<vmem>>) target_semaphore(%arg16 : memref<!tpu.dma_semaphore, #tpu.memory_space<semaphore_mem>>)
      } else {
      }
    }
    %scan3A_97 = arith.constant 125 : i32
    %dma_wait3A = arith.constant 0 : i32
    %dma_wait3A_98 = arith.constant 0 : i32
    %dma_wait3A_99 = tpu.memref_slice %arg11[%dma_wait3A, %dma_wait3A_98] : memref<80x128xf32, #tpu.memory_space<vmem>> -> memref<40x128xf32, #tpu.memory_space<vmem>>
    %dma_wait3A_100 = arith.constant 0 : i32
    %dma_wait3A_101 = tpu.memref_slice %arg8[%dma_wait3A_100] : memref<6000xi32, #tpu.memory_space<vmem>> -> memref<40xi32, #tpu.memory_space<vmem>>
    %dma_wait3A_102 = arith.constant 0 : i32
    %dma_wait3A_103 = arith.constant 0 : i32
    %dma_wait3A_104 = tpu.memref_slice %arg12[%dma_wait3A_102, %dma_wait3A_103] : memref<10240x128xf32, #tpu.memory_space<vmem_shared>> -> memref<10240x128xf32, #tpu.memory_space<vmem_shared>>
    tpu.wait_indirect_dma semaphore(%arg17 : memref<!tpu.dma_semaphore, #tpu.memory_space<semaphore_mem>>) src(%dma_wait3A_99 : memref<40x128xf32, #tpu.memory_space<vmem>>) dst(%dma_wait3A_104 : memref<10240x128xf32, #tpu.memory_space<vmem_shared>>)
    %dma_wait3A_105 = arith.constant 40 : i32
    %dma_wait3A_106 = arith.constant 0 : i32
    %dma_wait3A_107 = tpu.memref_slice %arg11[%dma_wait3A_105, %dma_wait3A_106] : memref<80x128xf32, #tpu.memory_space<vmem>> -> memref<40x128xf32, #tpu.memory_space<vmem>>
    %dma_wait3A_108 = arith.constant 0 : i32
    %dma_wait3A_109 = tpu.memref_slice %arg8[%dma_wait3A_108] : memref<6000xi32, #tpu.memory_space<vmem>> -> memref<40xi32, #tpu.memory_space<vmem>>
    %dma_wait3A_110 = arith.constant 0 : i32
    %dma_wait3A_111 = arith.constant 0 : i32
    %dma_wait3A_112 = tpu.memref_slice %arg12[%dma_wait3A_110, %dma_wait3A_111] : memref<10240x128xf32, #tpu.memory_space<vmem_shared>> -> memref<10240x128xf32, #tpu.memory_space<vmem_shared>>
    tpu.wait_indirect_dma semaphore(%arg18 : memref<!tpu.dma_semaphore, #tpu.memory_space<semaphore_mem>>) src(%dma_wait3A_107 : memref<40x128xf32, #tpu.memory_space<vmem>>) dst(%dma_wait3A_112 : memref<10240x128xf32, #tpu.memory_space<vmem_shared>>)
    %barrier3A_113 = arith.constant 0 : index
    tpu.barrier barrier_id(%barrier3A_113)
    "tpu.region"() ({
      %run_scoped3A = tpu.sem_alloc : memref<!tpu.dma_semaphore, #tpu.memory_space<semaphore_mem>>
      %dma_start3A_114 = arith.constant 0 : i32
      %dma_start3A_115 = tpu.memref_slice %arg6[%arg0, %mul3A_4, %dma_start3A_114] : memref<2x10240x128xf32, #tpu.memory_space<hbm>> -> memref<1x640x128xf32, #tpu.memory_space<hbm>>
      %dma_start3A_116 = tpu.memref_squeeze %dma_start3A_115 : memref<1x640x128xf32, #tpu.memory_space<hbm>> -> memref<640x128xf32, #tpu.memory_space<hbm>>
      %dma_start3A_117 = arith.constant 0 : i32
      %dma_start3A_118 = tpu.memref_slice %arg12[%mul3A_4, %dma_start3A_117] : memref<10240x128xf32, #tpu.memory_space<vmem_shared>> -> memref<640x128xf32, #tpu.memory_space<vmem_shared>>
      tpu.enqueue_dma source(%dma_start3A_118 : memref<640x128xf32, #tpu.memory_space<vmem_shared>>) target(%dma_start3A_116 : memref<640x128xf32, #tpu.memory_space<hbm>>) target_semaphore(%run_scoped3A : memref<!tpu.dma_semaphore, #tpu.memory_space<semaphore_mem>>)
      %dma_wait3A_119 = arith.constant 0 : i32
      %dma_wait3A_120 = tpu.memref_slice %arg6[%arg0, %mul3A_4, %dma_wait3A_119] : memref<2x10240x128xf32, #tpu.memory_space<hbm>> -> memref<1x640x128xf32, #tpu.memory_space<hbm>>
      %dma_wait3A_121 = tpu.memref_squeeze %dma_wait3A_120 : memref<1x640x128xf32, #tpu.memory_space<hbm>> -> memref<640x128xf32, #tpu.memory_space<hbm>>
      %dma_wait3A_122 = arith.constant 0 : i32
      %dma_wait3A_123 = tpu.memref_slice %arg12[%mul3A_4, %dma_wait3A_122] : memref<10240x128xf32, #tpu.memory_space<vmem_shared>> -> memref<640x128xf32, #tpu.memory_space<vmem_shared>>
      tpu.wait_dma2 semaphore(%run_scoped3A : memref<!tpu.dma_semaphore, #tpu.memory_space<semaphore_mem>>) src(%dma_wait3A_123 : memref<640x128xf32, #tpu.memory_space<vmem_shared>>) dst(%dma_wait3A_121 : memref<640x128xf32, #tpu.memory_space<hbm>>)
      tpu.yield
    }) : () -> ()
    return
  }
}

module attributes {stable_mosaic.version = 14 : i64} {
  func.func @_split_idx_body(%arg0: i32, %arg1: memref<2x320000xi32, #tpu.memory_space<vmem>>, %arg2: memref<320000xi32, #tpu.memory_space<vmem>>, %arg3: memref<320000xi32, #tpu.memory_space<vmem>>) attributes {dimension_semantics = [#tpu.dimension_semantics<arbitrary>], iteration_bounds = array<i64: 1>, scalar_prefetch = 0 : i64, scratch_operands = 0 : i64, tpu.core_type = #tpu.core_type<tc>, window_params = [{transform_indices = @transform_0, window_bounds = array<i64: 2, 320000>}, {transform_indices = @transform_1, window_bounds = array<i64: 320000>}, {transform_indices = @transform_2, window_bounds = array<i64: 320000>}]} {
    %get3A = arith.constant 0 : index
    %get3A_0 = arith.constant 0 : index
    %get3A_1 = vector.load %arg1[%get3A, %get3A_0] : memref<2x320000xi32, #tpu.memory_space<vmem>>, vector<1x320000xi32>
    %get3A_2 = vector.shape_cast %get3A_1 : vector<1x320000xi32> to vector<320000xi32>
    %swap3A = arith.constant 0 : index
    %swap3A_3 = vector.load %arg2[%swap3A] : memref<320000xi32, #tpu.memory_space<vmem>>, vector<320000xi32>
    tpu.vector_store %arg2[%swap3A], %get3A_2 {strides = array<i32>} : memref<320000xi32, #tpu.memory_space<vmem>>, vector<320000xi32>,
    %get3A_4 = arith.constant 1 : index
    %get3A_5 = arith.constant 0 : index
    %get3A_6 = vector.load %arg1[%get3A_4, %get3A_5] : memref<2x320000xi32, #tpu.memory_space<vmem>>, vector<1x320000xi32>
    %get3A_7 = vector.shape_cast %get3A_6 : vector<1x320000xi32> to vector<320000xi32>
    %swap3A_8 = arith.constant 0 : index
    %swap3A_9 = vector.load %arg3[%swap3A_8] : memref<320000xi32, #tpu.memory_space<vmem>>, vector<320000xi32>
    tpu.vector_store %arg3[%swap3A_8], %get3A_7 {strides = array<i32>} : memref<320000xi32, #tpu.memory_space<vmem>>, vector<320000xi32>,
    return
  }
  func.func @transform_0(%arg0: i32) -> (i32, i32) {
    %c0_i32 = arith.constant 0 : i32
    %c0_i32_0 = arith.constant 0 : i32
    return %c0_i32, %arg0 : i32, i32
  }
  func.func @transform_1(%arg0: i32) -> i32 {
    %c0_i32 = arith.constant 0 : i32
    return %arg0 : i32
  }
  func.func @transform_2(%arg0: i32) -> i32 {
    %c0_i32 = arith.constant 0 : i32
    return %arg0 : i32
  }
}

module attributes {stable_mosaic.version = 14 : i64} {
  func.func @_xh_body(%arg0: i32, %arg1: memref<1000x128xf32, #tpu.memory_space<vmem>>, %arg2: memref<128x128xf32, #tpu.memory_space<vmem>>, %arg3: memref<1000x128xf32, #tpu.memory_space<vmem>>) attributes {dimension_semantics = [#tpu.dimension_semantics<arbitrary>], iteration_bounds = array<i64: 10>, scalar_prefetch = 0 : i64, scratch_operands = 0 : i64, tpu.core_type = #tpu.core_type<tc>, window_params = [{transform_indices = @transform_0, window_bounds = array<i64: 1000, 128>}, {pipeline_mode = #tpu.pipeline_mode<synchronous>, transform_indices = @transform_1, window_bounds = array<i64: 128, 128>}, {transform_indices = @transform_2, window_bounds = array<i64: 1000, 128>}]} {
    %get3A = arith.constant 0 : index
    %get3A_0 = arith.constant 0 : index
    %get3A_1 = vector.load %arg1[%get3A, %get3A_0] : memref<1000x128xf32, #tpu.memory_space<vmem>>, vector<1000x128xf32>
    %get3A_2 = arith.constant 0 : index
    %get3A_3 = arith.constant 0 : index
    %get3A_4 = vector.load %arg2[%get3A_2, %get3A_3] : memref<128x128xf32, #tpu.memory_space<vmem>>, vector<128x128xf32>
    %dot_general3A = arith.constant dense<0.000000e+00> : vector<1000x128xf32>
    %dot_general3A_5 = tpu.matmul %get3A_1, %get3A_4, %dot_general3A {dimension_numbers = #tpu.dot_dimension_numbers<[1], [1], [0], [0], [0, 0, 1, 0], [], []>, transpose_lhs_hint = false} : vector<1000x128xf32>, vector<128x128xf32>, vector<1000x128xf32> -> vector<1000x128xf32>
    %swap3A = arith.constant 0 : index
    %swap3A_6 = arith.constant 0 : index
    %swap3A_7 = vector.load %arg3[%swap3A, %swap3A_6] : memref<1000x128xf32, #tpu.memory_space<vmem>>, vector<1000x128xf32>
    tpu.vector_store %arg3[%swap3A, %swap3A_6], %dot_general3A_5 {strides = array<i32>} : memref<1000x128xf32, #tpu.memory_space<vmem>>, vector<1000x128xf32>,
    return
  }
  func.func @transform_0(%arg0: i32) -> (i32, i32) {
    %c0_i32 = arith.constant 0 : i32
    %c0_i32_0 = arith.constant 0 : i32
    return %arg0, %c0_i32 : i32, i32
  }
  func.func @transform_1(%arg0: i32) -> (i32, i32) {
    %c0_i32 = arith.constant 0 : i32
    %c0_i32_0 = arith.constant 0 : i32
    %c0_i32_1 = arith.constant 0 : i32
    return %c0_i32, %c0_i32_0 : i32, i32
  }
  func.func @transform_2(%arg0: i32) -> (i32, i32) {
    %c0_i32 = arith.constant 0 : i32
    %c0_i32_0 = arith.constant 0 : i32
    return %arg0, %c0_i32 : i32, i32
  }
}

module attributes {stable_mosaic.version = 14 : i64} {
  func.func @_wf_body(%arg0: i32, %arg1: memref<50x6400xf32, #tpu.memory_space<vmem>>, %arg2: memref<1x1x6400xf32, #tpu.memory_space<vmem>>, %arg3: memref<50x128xf32, #tpu.memory_space<vmem>>, %arg4: memref<128x1xf32, #tpu.memory_space<vmem>>, %arg5: memref<128x128xf32, #tpu.memory_space<vmem>>, %arg6: memref<1x128xf32, #tpu.memory_space<vmem>>, %arg7: memref<6400x128xf32, #tpu.memory_space<vmem>>) attributes {dimension_semantics = [#tpu.dimension_semantics<arbitrary>], iteration_bounds = array<i64: 50>, scalar_prefetch = 0 : i64, scratch_operands = 0 : i64, tpu.core_type = #tpu.core_type<tc>, window_params = [{transform_indices = @transform_0, window_bounds = array<i64: 50, 6400>}, {transform_indices = @transform_1, window_bounds = array<i64: 1, 1, 6400>}, {pipeline_mode = #tpu.pipeline_mode<synchronous>, transform_indices = @transform_2, window_bounds = array<i64: 50, 128>}, {pipeline_mode = #tpu.pipeline_mode<synchronous>, transform_indices = @transform_3, window_bounds = array<i64: 128, 1>}, {pipeline_mode = #tpu.pipeline_mode<synchronous>, transform_indices = @transform_4, window_bounds = array<i64: 128, 128>}, {pipeline_mode = #tpu.pipeline_mode<synchronous>, transform_indices = @transform_5, window_bounds = array<i64: 1, 128>}, {transform_indices = @transform_6, window_bounds = array<i64: 6400, 128>}]} {
    %get3A = arith.constant 0 : index
    %get3A_0 = arith.constant 0 : index
    %get3A_1 = vector.load %arg3[%get3A, %get3A_0] : memref<50x128xf32, #tpu.memory_space<vmem>>, vector<50x128xf32>
    %convert_element_type3A = arith.truncf %get3A_1 : vector<50x128xf32> to vector<50x128xbf16>
    %get3A_2 = arith.constant 0 : index
    %get3A_3 = arith.constant 0 : index
    %get3A_4 = vector.load %arg1[%get3A_2, %get3A_3] : memref<50x6400xf32, #tpu.memory_space<vmem>>, vector<50x6400xf32>
    %convert_element_type3A_5 = arith.truncf %get3A_4 : vector<50x6400xf32> to vector<50x6400xbf16>
    %dot_general3A = arith.constant dense<0.000000e+00> : vector<128x6400xf32>
    %dot_general3A_6 = tpu.matmul %convert_element_type3A, %convert_element_type3A_5, %dot_general3A {dimension_numbers = #tpu.dot_dimension_numbers<[0], [0], [1], [1], [0, 1, 1, 1], [], []>, transpose_lhs_hint = false} : vector<50x128xbf16>, vector<50x6400xbf16>, vector<128x6400xf32> -> vector<128x6400xf32>
    %get3A_7 = arith.constant 0 : index
    %get3A_8 = arith.constant 0 : index
    %get3A_9 = vector.load %arg4[%get3A_7, %get3A_8] : memref<128x1xf32, #tpu.memory_space<vmem>>, vector<128x1xf32>
    %add3A = vector.broadcast %get3A_9 : vector<128x1xf32> to vector<128x6400xf32>
    %add3A_10 = arith.addf %dot_general3A_6, %add3A : vector<128x6400xf32>
    %custom_jvp_call3A = arith.constant 0.000000e+00 : f32
    %max3A = vector.broadcast %custom_jvp_call3A : f32 to vector<128x6400xf32>
    %max3A_11 = arith.maximumf %add3A_10, %max3A : vector<128x6400xf32>
    %sub3A = vector.broadcast %custom_jvp_call3A : f32 to vector<128x6400xf32>
    %sub3A_12 = arith.subf %add3A_10, %sub3A : vector<128x6400xf32>
    %ne3A = arith.cmpf one, %sub3A_12, %sub3A_12 : vector<128x6400xf32>
    %add3A_13 = vector.broadcast %custom_jvp_call3A : f32 to vector<128x6400xf32>
    %add3A_14 = arith.addf %add3A_10, %add3A_13 : vector<128x6400xf32>
    %abs3A = math.absf %sub3A_12 : vector<128x6400xf32>
    %neg3A = arith.constant 0.000000e+00 : f32
    %neg3A_15 = vector.broadcast %neg3A : f32 to vector<128x6400xf32>
    %neg3A_16 = arith.subf %neg3A_15, %abs3A : vector<128x6400xf32>
    %exp3A = math.exp %neg3A_16 : vector<128x6400xf32>
    %log1p3A = math.log1p %exp3A : vector<128x6400xf32>
    %add3A_17 = arith.addf %max3A_11, %log1p3A : vector<128x6400xf32>
    %select_n3A = arith.select %ne3A, %add3A_14, %add3A_17 : vector<128x6400xi1>, vector<128x6400xf32>
    %log3A = arith.constant 2.000000e+00 : f32
    %log3A_18 = math.log %log3A : f32
    %sub3A_19 = vector.broadcast %log3A_18 : f32 to vector<128x6400xf32>
    %sub3A_20 = arith.subf %select_n3A, %sub3A_19 : vector<128x6400xf32>
    %get3A_21 = arith.constant 0 : index
    %get3A_22 = arith.constant 0 : index
    %get3A_23 = arith.constant 0 : index
    %get3A_24 = vector.load %arg2[%get3A_21, %get3A_22, %get3A_23] : memref<1x1x6400xf32, #tpu.memory_space<vmem>>, vector<1x1x6400xf32>
    %get3A_25 = vector.shape_cast %get3A_24 : vector<1x1x6400xf32> to vector<1x6400xf32>
    %mul3A = arith.constant 0.314159274 : f32
    %mul3A_26 = vector.broadcast %mul3A : f32 to vector<1x6400xf32>
    %mul3A_27 = arith.mulf %get3A_25, %mul3A_26 : vector<1x6400xf32>
    %sub3A_28 = arith.constant 1.57079637 : f32
    %sub3A_29 = vector.broadcast %sub3A_28 : f32 to vector<1x6400xf32>
    %sub3A_30 = arith.subf %mul3A_27, %sub3A_29 : vector<1x6400xf32>
    %mul3A_31 = arith.mulf %sub3A_30, %sub3A_30 : vector<1x6400xf32>
    %mul3A_32 = arith.constant -1.8362733E-4 : f32
    %mul3A_33 = vector.broadcast %mul3A_32 : f32 to vector<1x6400xf32>
    %mul3A_34 = arith.mulf %mul3A_31, %mul3A_33 : vector<1x6400xf32>
    %add3A_35 = arith.constant 0.00830628536 : f32
    %add3A_36 = vector.broadcast %add3A_35 : f32 to vector<1x6400xf32>
    %add3A_37 = arith.addf %add3A_36, %mul3A_34 : vector<1x6400xf32>
    %mul3A_38 = arith.mulf %mul3A_31, %add3A_37 : vector<1x6400xf32>
    %add3A_39 = arith.constant -0.166648239 : f32
    %add3A_40 = vector.broadcast %add3A_39 : f32 to vector<1x6400xf32>
    %add3A_41 = arith.addf %add3A_40, %mul3A_38 : vector<1x6400xf32>
    %mul3A_42 = arith.mulf %mul3A_31, %add3A_41 : vector<1x6400xf32>
    %add3A_43 = arith.constant 0.999996602 : f32
    %add3A_44 = vector.broadcast %add3A_43 : f32 to vector<1x6400xf32>
    %add3A_45 = arith.addf %add3A_44, %mul3A_42 : vector<1x6400xf32>
    %mul3A_46 = arith.mulf %sub3A_30, %add3A_45 : vector<1x6400xf32>
    %mul3A_47 = arith.constant 5.000000e-01 : f32
    %mul3A_48 = vector.broadcast %mul3A_47 : f32 to vector<1x6400xf32>
    %mul3A_49 = arith.mulf %mul3A_48, %mul3A_46 : vector<1x6400xf32>
    %sub3A_50 = arith.constant 5.000000e-01 : f32
    %sub3A_51 = vector.broadcast %sub3A_50 : f32 to vector<1x6400xf32>
    %sub3A_52 = arith.subf %sub3A_51, %mul3A_49 : vector<1x6400xf32>
    %mul3A_53 = vector.broadcast %sub3A_52 : vector<1x6400xf32> to vector<128x6400xf32>
    %mul3A_54 = arith.mulf %sub3A_20, %mul3A_53 : vector<128x6400xf32>
    %convert_element_type3A_55 = arith.truncf %mul3A_54 : vector<128x6400xf32> to vector<128x6400xbf16>
    %get3A_56 = arith.constant 0 : index
    %get3A_57 = arith.constant 0 : index
    %get3A_58 = vector.load %arg5[%get3A_56, %get3A_57] : memref<128x128xf32, #tpu.memory_space<vmem>>, vector<128x128xf32>
    %convert_element_type3A_59 = arith.truncf %get3A_58 : vector<128x128xf32> to vector<128x128xbf16>
    %dot_general3A_60 = arith.constant dense<0.000000e+00> : vector<6400x128xf32>
    %dot_general3A_61 = tpu.matmul %convert_element_type3A_55, %convert_element_type3A_59, %dot_general3A_60 {dimension_numbers = #tpu.dot_dimension_numbers<[0], [1], [1], [0], [0, 1, 1, 0], [], []>, transpose_lhs_hint = false} : vector<128x6400xbf16>, vector<128x128xbf16>, vector<6400x128xf32> -> vector<6400x128xf32>
    %get3A_62 = arith.constant 0 : index
    %get3A_63 = arith.constant 0 : index
    %get3A_64 = vector.load %arg6[%get3A_62, %get3A_63] : memref<1x128xf32, #tpu.memory_space<vmem>>, vector<1x128xf32>
    %dot_general3A_65 = arith.constant dense<0.000000e+00> : vector<6400x128xf32>
    %dot_general3A_66 = tpu.matmul %sub3A_52, %get3A_64, %dot_general3A_65 {dimension_numbers = #tpu.dot_dimension_numbers<[0], [0], [1], [1], [0, 1, 1, 1], [], []>, transpose_lhs_hint = false} : vector<1x6400xf32>, vector<1x128xf32>, vector<6400x128xf32> -> vector<6400x128xf32>
    %add3A_67 = arith.addf %dot_general3A_61, %dot_general3A_66 : vector<6400x128xf32>
    %swap3A = arith.constant 0 : index
    %swap3A_68 = arith.constant 0 : index
    %swap3A_69 = vector.load %arg7[%swap3A, %swap3A_68] : memref<6400x128xf32, #tpu.memory_space<vmem>>, vector<6400x128xf32>
    tpu.vector_store %arg7[%swap3A, %swap3A_68], %add3A_67 {strides = array<i32>} : memref<6400x128xf32, #tpu.memory_space<vmem>>, vector<6400x128xf32>,
    return
  }
  func.func @transform_0(%arg0: i32) -> (i32, i32) {
    %c0_i32 = arith.constant 0 : i32
    %c0_i32_0 = arith.constant 0 : i32
    return %c0_i32, %arg0 : i32, i32
  }
  func.func @transform_1(%arg0: i32) -> (i32, i32, i32) {
    %c0_i32 = arith.constant 0 : i32
    %c0_i32_0 = arith.constant 0 : i32
    %c0_i32_1 = arith.constant 0 : i32
    return %arg0, %c0_i32, %c0_i32_0 : i32, i32, i32
  }
  func.func @transform_2(%arg0: i32) -> (i32, i32) {
    %c0_i32 = arith.constant 0 : i32
    %c0_i32_0 = arith.constant 0 : i32
    %c0_i32_1 = arith.constant 0 : i32
    return %c0_i32, %c0_i32_0 : i32, i32
  }
  func.func @transform_3(%arg0: i32) -> (i32, i32) {
    %c0_i32 = arith.constant 0 : i32
    %c0_i32_0 = arith.constant 0 : i32
    %c0_i32_1 = arith.constant 0 : i32
    return %c0_i32, %c0_i32_0 : i32, i32
  }
  func.func @transform_4(%arg0: i32) -> (i32, i32) {
    %c0_i32 = arith.constant 0 : i32
    %c0_i32_0 = arith.constant 0 : i32
    %c0_i32_1 = arith.constant 0 : i32
    return %c0_i32, %c0_i32_0 : i32, i32
  }
  func.func @transform_5(%arg0: i32) -> (i32, i32) {
    %c0_i32 = arith.constant 0 : i32
    %c0_i32_0 = arith.constant 0 : i32
    %c0_i32_1 = arith.constant 0 : i32
    return %c0_i32, %c0_i32_0 : i32, i32
  }
  func.func @transform_6(%arg0: i32) -> (i32, i32) {
    %c0_i32 = arith.constant 0 : i32
    %c0_i32_0 = arith.constant 0 : i32
    return %arg0, %c0_i32 : i32, i32
  }
}

module attributes {stable_mosaic.version = 14 : i64} {
  func.func @_final_body(%arg0: i32, %arg1: memref<1000x128xf32, #tpu.memory_space<vmem>>, %arg2: memref<1000x128xf32, #tpu.memory_space<vmem>>, %arg3: memref<128x128xf32, #tpu.memory_space<vmem>>, %arg4: memref<1x128xf32, #tpu.memory_space<vmem>>, %arg5: memref<128x128xf32, #tpu.memory_space<vmem>>, %arg6: memref<1x128xf32, #tpu.memory_space<vmem>>, %arg7: memref<1000x128xf32, #tpu.memory_space<vmem>>) attributes {dimension_semantics = [#tpu.dimension_semantics<arbitrary>], iteration_bounds = array<i64: 10>, scalar_prefetch = 0 : i64, scratch_operands = 0 : i64, tpu.core_type = #tpu.core_type<tc>, window_params = [{transform_indices = @transform_0, window_bounds = array<i64: 1000, 128>}, {transform_indices = @transform_1, window_bounds = array<i64: 1000, 128>}, {pipeline_mode = #tpu.pipeline_mode<synchronous>, transform_indices = @transform_2, window_bounds = array<i64: 128, 128>}, {pipeline_mode = #tpu.pipeline_mode<synchronous>, transform_indices = @transform_3, window_bounds = array<i64: 1, 128>}, {pipeline_mode = #tpu.pipeline_mode<synchronous>, transform_indices = @transform_4, window_bounds = array<i64: 128, 128>}, {pipeline_mode = #tpu.pipeline_mode<synchronous>, transform_indices = @transform_5, window_bounds = array<i64: 1, 128>}, {transform_indices = @transform_6, window_bounds = array<i64: 1000, 128>}]} {
    %get3A = arith.constant 0 : index
    %get3A_0 = arith.constant 0 : index
    %get3A_1 = vector.load %arg1[%get3A, %get3A_0] : memref<1000x128xf32, #tpu.memory_space<vmem>>, vector<1000x128xf32>
    %get3A_2 = arith.constant 0 : index
    %get3A_3 = arith.constant 0 : index
    %get3A_4 = vector.load %arg2[%get3A_2, %get3A_3] : memref<1000x128xf32, #tpu.memory_space<vmem>>, vector<1000x128xf32>
    %add3A = arith.addf %get3A_1, %get3A_4 : vector<1000x128xf32>
    %get3A_5 = arith.constant 0 : index
    %get3A_6 = arith.constant 0 : index
    %get3A_7 = vector.load %arg3[%get3A_5, %get3A_6] : memref<128x128xf32, #tpu.memory_space<vmem>>, vector<128x128xf32>
    %dot_general3A = arith.constant dense<0.000000e+00> : vector<1000x128xf32>
    %dot_general3A_8 = tpu.matmul %add3A, %get3A_7, %dot_general3A {dimension_numbers = #tpu.dot_dimension_numbers<[1], [1], [0], [0], [0, 0, 1, 0], [], []>, transpose_lhs_hint = false} : vector<1000x128xf32>, vector<128x128xf32>, vector<1000x128xf32> -> vector<1000x128xf32>
    %get3A_9 = arith.constant 0 : index
    %get3A_10 = arith.constant 0 : index
    %get3A_11 = vector.load %arg4[%get3A_9, %get3A_10] : memref<1x128xf32, #tpu.memory_space<vmem>>, vector<1x128xf32>
    %add3A_12 = vector.broadcast %get3A_11 : vector<1x128xf32> to vector<1000x128xf32>
    %add3A_13 = arith.addf %dot_general3A_8, %add3A_12 : vector<1000x128xf32>
    %custom_jvp_call3A = arith.constant 0.000000e+00 : f32
    %max3A = vector.broadcast %custom_jvp_call3A : f32 to vector<1000x128xf32>
    %max3A_14 = arith.maximumf %add3A_13, %max3A : vector<1000x128xf32>
    %sub3A = vector.broadcast %custom_jvp_call3A : f32 to vector<1000x128xf32>
    %sub3A_15 = arith.subf %add3A_13, %sub3A : vector<1000x128xf32>
    %ne3A = arith.cmpf one, %sub3A_15, %sub3A_15 : vector<1000x128xf32>
    %add3A_16 = vector.broadcast %custom_jvp_call3A : f32 to vector<1000x128xf32>
    %add3A_17 = arith.addf %add3A_13, %add3A_16 : vector<1000x128xf32>
    %abs3A = math.absf %sub3A_15 : vector<1000x128xf32>
    %neg3A = arith.constant 0.000000e+00 : f32
    %neg3A_18 = vector.broadcast %neg3A : f32 to vector<1000x128xf32>
    %neg3A_19 = arith.subf %neg3A_18, %abs3A : vector<1000x128xf32>
    %exp3A = math.exp %neg3A_19 : vector<1000x128xf32>
    %log1p3A = math.log1p %exp3A : vector<1000x128xf32>
    %add3A_20 = arith.addf %max3A_14, %log1p3A : vector<1000x128xf32>
    %select_n3A = arith.select %ne3A, %add3A_17, %add3A_20 : vector<1000x128xi1>, vector<1000x128xf32>
    %log3A = arith.constant 2.000000e+00 : f32
    %log3A_21 = math.log %log3A : f32
    %sub3A_22 = vector.broadcast %log3A_21 : f32 to vector<1000x128xf32>
    %sub3A_23 = arith.subf %select_n3A, %sub3A_22 : vector<1000x128xf32>
    %get3A_24 = arith.constant 0 : index
    %get3A_25 = arith.constant 0 : index
    %get3A_26 = vector.load %arg5[%get3A_24, %get3A_25] : memref<128x128xf32, #tpu.memory_space<vmem>>, vector<128x128xf32>
    %dot_general3A_27 = arith.constant dense<0.000000e+00> : vector<1000x128xf32>
    %dot_general3A_28 = tpu.matmul %sub3A_23, %get3A_26, %dot_general3A_27 {dimension_numbers = #tpu.dot_dimension_numbers<[1], [1], [0], [0], [0, 0, 1, 0], [], []>, transpose_lhs_hint = false} : vector<1000x128xf32>, vector<128x128xf32>, vector<1000x128xf32> -> vector<1000x128xf32>
    %get3A_29 = arith.constant 0 : index
    %get3A_30 = arith.constant 0 : index
    %get3A_31 = vector.load %arg6[%get3A_29, %get3A_30] : memref<1x128xf32, #tpu.memory_space<vmem>>, vector<1x128xf32>
    %add3A_32 = vector.broadcast %get3A_31 : vector<1x128xf32> to vector<1000x128xf32>
    %add3A_33 = arith.addf %dot_general3A_28, %add3A_32 : vector<1000x128xf32>
    %swap3A = arith.constant 0 : index
    %swap3A_34 = arith.constant 0 : index
    %swap3A_35 = vector.load %arg7[%swap3A, %swap3A_34] : memref<1000x128xf32, #tpu.memory_space<vmem>>, vector<1000x128xf32>
    tpu.vector_store %arg7[%swap3A, %swap3A_34], %add3A_33 {strides = array<i32>} : memref<1000x128xf32, #tpu.memory_space<vmem>>, vector<1000x128xf32>,
    return
  }
  func.func @transform_0(%arg0: i32) -> (i32, i32) {
    %c0_i32 = arith.constant 0 : i32
    %c0_i32_0 = arith.constant 0 : i32
    return %arg0, %c0_i32 : i32, i32
  }
  func.func @transform_1(%arg0: i32) -> (i32, i32) {
    %c0_i32 = arith.constant 0 : i32
    %c0_i32_0 = arith.constant 0 : i32
    return %arg0, %c0_i32 : i32, i32
  }
  func.func @transform_2(%arg0: i32) -> (i32, i32) {
    %c0_i32 = arith.constant 0 : i32
    %c0_i32_0 = arith.constant 0 : i32
    %c0_i32_1 = arith.constant 0 : i32
    return %c0_i32, %c0_i32_0 : i32, i32
  }
  func.func @transform_3(%arg0: i32) -> (i32, i32) {
    %c0_i32 = arith.constant 0 : i32
    %c0_i32_0 = arith.constant 0 : i32
    %c0_i32_1 = arith.constant 0 : i32
    return %c0_i32, %c0_i32_0 : i32, i32
  }
  func.func @transform_4(%arg0: i32) -> (i32, i32) {
    %c0_i32 = arith.constant 0 : i32
    %c0_i32_0 = arith.constant 0 : i32
    %c0_i32_1 = arith.constant 0 : i32
    return %c0_i32, %c0_i32_0 : i32, i32
  }
  func.func @transform_5(%arg0: i32) -> (i32, i32) {
    %c0_i32 = arith.constant 0 : i32
    %c0_i32_0 = arith.constant 0 : i32
    %c0_i32_1 = arith.constant 0 : i32
    return %c0_i32, %c0_i32_0 : i32, i32
  }
  func.func @transform_6(%arg0: i32) -> (i32, i32) {
    %c0_i32 = arith.constant 0 : i32
    %c0_i32_0 = arith.constant 0 : i32
    return %arg0, %c0_i32 : i32, i32
  }
}

</mosaic_0001>

<sc_bundles>
// kernel: kernel.7.cloned.1.call-start
scs
__scs_entry_jumppad:
0x0: {  	(pc) =	sbr.rel $0x88, $3  }
0x1: {  	(tag) =	ssettag $0x0;
	lr =	simm.s32 $0x1  }
0x2: {  	[smem:$0x3F94] =	sst lr;
	_ =	strace $0xD0000000  }
0x3: {  	_ = 	snop  }
0x4: {  	_ = 	snop  }
0x5: {  	_ = 	snop  }
0x6: {  	_ = 	snop  }
0x7: {  	_ = 	snop  }
__scs_overlays_trampoline_lowered:
0x8: {  	[smem:$0x3FA3] =	sst s0  }
0x9: {  	[smem:$0x3FA4] =	sst s1  }
0xa: {  	[smem:$0x3FA5] =	sst s2  }
0xb: {  	[smem:$0x3FA6] =	sst s3  }
0xc: {  	[smem:$0x3FA7] =	sst s4  }
0xd: {  	[smem:$0x3FA8] =	sst s5  }
0xe: {  	[smem:$0x3FA9] =	sst s6  }
0xf: {  	[smem:$0x3FAA] =	sst s7  }
0x10: {  	[smem:$0x3FAB] =	sst s8  }
0x11: {  	[smem:$0x3FAC] =	sst s9;
	s0 =	simm.s32 @!p0 $0x0  }
0x12: {  	s1 =	sld [smem:$0x3F92];
	s0 =	simm.s32 @p0 $0x1  }
0x13: {  	[smem:$0x3FAD] =	sst s0;
	s0 =	simm.s32 @!p1 $0x0  }
0x14: {  	s2 =	sld [smem:$0x3F91];
	s0 =	simm.s32 @p1 $0x1  }
0x15: {  	[smem:$0x3FAE] =	sst s0;
	s0 =	simm.s32 @!p2 $0x0  }
0x16: {  	s3 =	sld [smem:$0x3FDB];
	s0 =	simm.s32 @p2 $0x1  }
0x17: {  	s4 =	simm.s32 $0x1BF5;
	[smem:$0x3FB0] =	sst s0  }
0x18: {  	s0 =	sld [smem:$0x3F93];
	_ =	swait.ge [sflag:s4], $0x0  }
0x19: {  	s7 =	sld [smem:$0x3F94]  }
0x1a: {  	s8 =	sadd.s32 $0xFFFFE003, lr  }
0x1b: {  	s9 =	sadd.s32 $0xFFFFFEF7, lr;
	s5 =	simm.s32 $0xFFFFFFFF;
	p2 =	slt.u32 s8, $0xFFFFF086  }
0x1c: {  	p1 =	slt.u32 s9, $0xF7A;
	s5 =	simm.s32 @!p2 $0x0  }
0x1d: {  	s5 =	simm.s32 @p1 $0x1;
	p0 =	seq.s32 s7, s2  }
0x1e: {  	s7 =	smul.u32 @!p0 $0xF7A, s2;
	p2 =	seq.s32 @!p0 s5, $0x0  }
0x1f: {  	s9 =	smul.u32 $0xF7A, s1;
	s8 =	simm.s32 @!p0 $0x1BF5;
	p2 =	por !p2, p0  }
0x20: {  	[sflag:s8] =	ssyncset.s32 @!p0 $0xFFFFF086;
	s6 =	sadd.s32 @!p0 s3, s7;
	s7 =	simm.s32 @!p0 $0x108  }
0x21: {  	s3 =	sadd.s32 s3, s9;
	s6 =	sadd.s32 @!p0 $0x88, s6;
	s7 =	simm.s32 @p2 $0x1082  }
0x22: {  	[simem:s7], [sflag:s8] =	dma.local @!p0 [hbm:s6], $0xF7A  }
0x23: {  	s9 =	sor.u32 $0xD0000000, s2;
	s6 =	simm.s32 $0x108;
	_ =	swait.ge @!p0 [sflag:s8], $0x0  }
0x24: {  	s3 =	sadd.s32 $0x88, s3;
	s6 =	simm.s32 @!p1 $0x1082;
	[sflag:s4] =	ssyncset.s32 $0xFFFFF086  }
0x25: {  	[simem:s6], [sflag:s4] =	dma.local [hbm:s3], $0xF7A  }
0x26: {  	[smem:$0x3F94] =	sst s1;
	(tag) =	ssettag s2;
	_ =	strace s9  }
0x27: {  	s1 =	sld [smem:$0x3FA4]  }
0x28: {  	s2 =	sld [smem:$0x3FA5]  }
0x29: {  	s4 =	sld [smem:$0x3FA7]  }
0x2a: {  	p0 =	seq.s32 s5, $0x0;
	s5 =	sld [smem:$0x3FA8]  }
0x2b: {  	s6 =	sld [smem:$0x3FA9]  }
0x2c: {  	s7 =	sld [smem:$0x3FAA]  }
0x2d: {  	s3 =	simm.s32 $0x108;
	s8 =	sld [smem:$0x3FAB]  }
0x2e: {  	s3 =	simm.s32 @!p0 $0x1082;
	s9 =	sld [smem:$0x3FAC]  }
0x2f: {  	lr =	sadd.s32 s0, s3;
	s0 =	sld [smem:$0x3FA3]  }
0x30: {  	s3 =	sld [smem:$0x3FA6]  }
0x31: {  	[smem:$0x3FAF] =	sst s10  }
0x32: {  	s10 =	sld [smem:$0x3FAD];
	_ =	sdelay $0x3  }
0x33: {  	p0 =	seq.s32 s10, $0x1;
	s10 =	sld [smem:$0x3FAF];
	_ =	sdelay $0x3  }
0x34: {  	[smem:$0x3FAF] =	sst s10  }
0x35: {  	s10 =	sld [smem:$0x3FAE];
	_ =	sdelay $0x3  }
0x36: {  	p1 =	seq.s32 s10, $0x1;
	s10 =	sld [smem:$0x3FAF];
	_ =	sdelay $0x3  }
0x37: {  	[smem:$0x3FAF] =	sst s10  }
0x38: {  	s10 =	sld [smem:$0x3FB0]  }
0x39: {  	_ = 	snop;
	(pc) =	sbr.ind lr, $3  }
0x3a: {  	_ = 	snop  }
0x3b: {  	_ = 	snop  }
0x3c: {  	p2 =	seq.s32 s10, $0x1;
	s10 =	sld [smem:$0x3FAF]  }
0x3d: {  	_ =	shalt  }
0x3e: {  	_ =	shalt  }
0x3f: {  	_ =	shalt  }
0x40: {  	_ =	shalt  }
0x41: {  	_ =	shalt  }
0x42: {  	_ =	shalt  }
0x43: {  	_ =	shalt  }
0x44: {  	_ =	shalt  }
0x45: {  	_ =	shalt  }
0x46: {  	_ =	shalt  }
0x47: {  	_ =	shalt  }
0x48: {  	_ =	shalt  }
0x49: {  	_ =	shalt  }
0x4a: {  	_ =	shalt  }
0x4b: {  	_ =	shalt  }
0x4c: {  	_ =	shalt  }
0x4d: {  	_ =	shalt  }
0x4e: {  	_ =	shalt  }
0x4f: {  	_ =	shalt  }
0x50: {  	_ =	shalt  }
0x51: {  	_ =	shalt  }
0x52: {  	_ =	shalt  }
0x53: {  	_ =	shalt  }
0x54: {  	_ =	shalt  }
0x55: {  	_ =	shalt  }
0x56: {  	_ =	shalt  }
0x57: {  	_ =	shalt  }
0x58: {  	_ =	shalt  }
0x59: {  	_ =	shalt  }
0x5a: {  	_ =	shalt  }
0x5b: {  	_ =	shalt  }
0x5c: {  	_ =	shalt  }
0x5d: {  	_ =	shalt  }
0x5e: {  	_ =	shalt  }
0x5f: {  	_ =	shalt  }
0x60: {  	_ =	shalt  }
0x61: {  	_ =	shalt  }
0x62: {  	_ =	shalt  }
0x63: {  	_ =	shalt  }
0x64: {  	_ =	shalt  }
0x65: {  	_ =	shalt  }
0x66: {  	_ =	shalt  }
0x67: {  	_ =	shalt  }
0x68: {  	_ =	shalt  }
0x69: {  	_ =	shalt  }
0x6a: {  	_ =	shalt  }
0x6b: {  	_ =	shalt  }
0x6c: {  	_ =	shalt  }
0x6d: {  	_ =	shalt  }
0x6e: {  	_ =	shalt  }
0x6f: {  	_ =	shalt  }
0x70: {  	_ =	shalt  }
0x71: {  	_ =	shalt  }
0x72: {  	_ =	shalt  }
0x73: {  	_ =	shalt  }
0x74: {  	_ =	shalt  }
0x75: {  	_ =	shalt  }
0x76: {  	_ =	shalt  }
0x77: {  	_ =	shalt  }
0x78: {  	_ =	shalt  }
0x79: {  	_ =	shalt  }
0x7a: {  	_ =	shalt  }
0x7b: {  	_ =	shalt  }
0x7c: {  	_ =	shalt  }
0x7d: {  	_ =	shalt  }
0x7e: {  	_ =	shalt  }
0x7f: {  	_ =	shalt  }
0x80: {  	_ =	shalt  }
0x81: {  	_ =	shalt  }
0x82: {  	_ =	shalt  }
0x83: {  	_ =	shalt  }
0x84: {  	_ =	shalt  }
0x85: {  	_ =	shalt  }
0x86: {  	_ =	shalt  }
0x87: {  	_ =	shalt  }
.Lfunc_end0:
.L_simem_size_0:
called_computation_lowered:
.L_overlay_start_0:
0x88: {  	s2 =	sld [smem:$0x3FD9]  }
0x89: {  	s3 =	sld [smem:$0x3FFE];
	_ =	sdelay $0x1  }
0x8a: {  	s1 =	srdreg.scid  }
0x8b: {  	s0 =	sand.u32 $0x1, s1  }
0x8c: {  	s17 =	sshll.u32 s0, $0xA;
	s2 =	sadd.s32 s3, s2  }
0x8d: {  	s2 =	sadd.s32 s2, s17  }
0x8e: {  	[smem:$0x3FBB] =	sst s2  }
0x8f: {  	_ = 	snop  }
0x90: {  	s2 =	sld [smem:$0x3FD0];
	(tm) =	ssettm $0x1  }
0x91: {  	s18 =	sld [smem:$0x3FFB];
	_ =	sdelay $0x3  }
0x92: {  	_ =	strace s18  }
0x93: {  	s3 =	sld [smem:$0x3FFC];
	_ =	sdelay $0x3  }
0x94: {  	_ =	strace s3  }
0x95: {  	s3 =	sld [smem:$0x3FFD];
	_ =	sdelay $0x3  }
0x96: {  	_ =	strace s3  }
0x97: {  	_ =	strace $0x8FFFFFFF  }
0x98: {  	s19 =	sld [smem:$0x3FDB];
	_ =	sdelay $0x1  }
0x99: {  	s4 =	simm.s32 $_scs_section_size  }
0x9a: {  	s5 =	simm.s32 $_size__tile_overlayer_lowered;
	s6 =	simm.s32 $_tile_overlayer_lowered  }
0x9b: {  	s22 =	simm.s32 $0x1BFF;
	s21 =	sshll.u32 s6, $0x1;
	s3 =	sadd.s32 s4, s19  }
0x9c: {  	s7 =	simm.s32 $0x0;
	s20 =	sshll.u32 s5, $0x1;
	s5 =	sadd.s32 s21, s3  }
0x9d: {  	[timem:s7], [sflag:s22] =	dma.local [hbm:s5], s20  }
0x9e: {  	_ =	swait.ge [sflag:s22], s20  }
0x9f: {  	s4 =	ssub.s32 $0x0, s20;
	[sflag:s22] =	ssyncset.done $0x0  }
0xa0: {  	[sflag:s22] =	ssyncadd.s32 s4;
	_ =	sdelay $0x1  }
0xa1: {  	s23 =	simm.s32 $0x1B8B  }
0xa2: {  	_ =	swait.ge [sflag:s23], $0x1  }
0xa3: {  	[sflag:s23] =	ssyncset.done $0x0  }
0xa4: {  	s25 =	simm.s32 $0x1B8E;
	s24 =	sld [smem:$0x3FFE];
	[sflag:s23] =	ssyncadd.s32 $0xFFFFFFFF  }
0xa5: {  	s26 =	simm.s32 $execute0_lowered;
	[smem:$0x3FD2] =	sst s25  }
0xa6: {  	s5 =	sshll.u32 s26, $0x1;
	_ =	strace $0x80000046;
	[dreg:$0x1] =	wrdreg $0xFFFFFFFF  }
0xa7: {  	s28 =	simm.s32 $_size_execute0_lowered;
	s3 =	sadd.s32 s3, s5;
	[dreg:$0x0] =	wrdreg $0x0  }
0xa8: {  	s5 =	sshll.u32 s28, $0x1;
	[dreg:$0x2] =	wrdreg s3  }
0xa9: {  	[dreg:$0x3] =	wrdreg s5  }
0xaa: {  	[dreg:$0x4] =	wrdreg $0xC0  }
0xab: {  	_ =	task [dreg:s7], $0x5FFFF  }
0xac: {  	[dreg:$0x1] =	wrdreg $0xFFFFFFFF  }
0xad: {  	[dreg:$0x0] =	wrdreg $0x60  }
0xae: {  	[dreg:$0x2] =	wrdreg s2  }
0xaf: {  	[dreg:$0x3] =	wrdreg s24  }
0xb0: {  	[dreg:$0x4] =	wrdreg $0xA7000  }
0xb1: {  	[dreg:$0x5] =	wrdreg $0x9  }
0xb2: {  	_ =	task.clear_ibuf [dreg:s7], $0x6FFFF;
	_ =	strace $0x90000046  }
0xb3: {  	s29 =	simm.s32 $0x9;
	_ =	strace $0x80000048  }
0xb4: {  	_ =	swait.ge [sflag:s29], $0x1  }
0xb5: {  	[sflag:s29] =	ssyncadd.s32 $0xFFFFFFFF  }
0xb6: {  	_ =	strace $0x90000048  }
0xb7: {  	_ =	sfence  }
0xb8: {  	s30 =	sld [smem:$0x0];
	_ =	sdelay $0x2  }
0xb9: {  	s31 =	sshll.u32 s1, $0xD;
	s1 =	sshrl.u32 s1, $0x2  }
0xba: {  	s3 =	sand.u32 $0x4000, s31;
	s1 =	sadd.s32 s1, s30  }
0xbb: {  	s0 =	sor.u32 s3, s0;
	s1 =	sshll.u32 s1, $0x11  }
0xbc: {  	s0 =	sor.u32 s1, s0  }
0xbd: {  	s0 =	sadd.s32 $0x8F2B, s0  }
0xbe: {  	[sflag:s0] =	ssyncadd.remote.s32 $0x1  }
0xbf: {  	_ =	sfence.sel $0xFFFF  }
0xc0: {  	[dreg:$0x0] =	wrdreg $0xFFFFFFFF;
	(pc) =	sbr.abs _section_cstart, $3  }
0xc1: {  	[dreg:$0x1] =	wrdreg $0xFFFFFFFF  }
0xc2: {  	_ =	task.clear_ibuf [dreg:s7], $0x2FFFF;
	_ =	strace $0x9FFFFFFF  }
0xc3: {  	(tm) =	ssettm $0x7FFFFFFF  }
tec
execute0_lowered:
.L_overlay_start_1:
0x0: {  	(tag) =	ssettag $0x1  }
0x1: {  	s1 =	rddreg [dreg:$0x0]  }
0x2: {  	s0 =	rddreg [dreg:$0x1]  }
0x3: {  	s2 =	rddreg [dreg:$0x2];
	s12 =	stileid.u32  }
0x4: {  	s3 =	srdreg.scid;
	s4 =	simm.s32 $0x0;
	s8 =	smul.u32 $0x14000, s12  }
0x5: {  	s3 =	sand.u32 $0x1, s3;
	s9 =	sshll.u32 s12, $0x1;
	s12 =	smul.u32 $0x50000, s12  }
0x6: {  	s7 =	smul.u32 $0x140000, s3;
	s9 =	sor.u32 s3, s9;
	s3 =	ssub.s32 $0x2, s3  }
0x7: {  	[smem:$0x7FF] =	sst s4;
	s5 =	sadd.s32 $0x2200, s0;
	s28 =	sshrl.u32 s3, $0x1  }
0x8: {  	s6 =	sadd.s32 $0xC000, s0;
	s14 =	sshrl.u32 s12, $0x2;
	s3 =	ssub.s32 s3, s28  }
0x9: {  	_ =	strace $0x80000047;
	s16 =	sadd.s32 s14, s2;
	s15 =	smax.u32 s3, $0x1  }
0xa: {  	s11 =	smul.u32 $0x138800, s9;
	s17 =	sadd.s32 $0x1400, s16;
	[dreg:$0xb] =	wrdreg s15  }
0xb: {  	s12 =	simm.s32 $0x2F00;
	s18 =	sadd.s32 $0x2800, s16;
	[dreg:$0xc] =	wrdreg s17  }
0xc: {  	s7 =	sadd.s32 s8, s7;
	s19 =	sadd.s32 $0x3C00, s16;
	[dreg:$0xd] =	wrdreg s18  }
0xd: {  	s8 =	sadd.s32 $0x15E00, s0;
	s20 =	sadd.s32 $0x5000, s16;
	[dreg:$0xe] =	wrdreg s19  }
0xe: {  	s14 =	simm.s32 $0x1;
	s21 =	sadd.s32 $0x6400, s16;
	[dreg:$0xf] =	wrdreg s20  }
0xf: {  	s10 =	sshrl.u32 s7, $0x3;
	s22 =	sadd.s32 $0x7800, s16;
	[dreg:$0x10] =	wrdreg s21  }
0x10: {  	s7 =	smul.u32 $0x2710, s9;
	s23 =	sadd.s32 $0x8C00, s16;
	[dreg:$0x11] =	wrdreg s22  }
0x11: {  	s9 =	smul.u32 $0x27100, s9;
	s24 =	sadd.s32 $0xA000, s16;
	[dreg:$0x12] =	wrdreg s23  }
0x12: {  	s11 =	sshrl.u32 s11, $0x3;
	s25 =	sadd.s32 $0xB400, s16;
	[dreg:$0x13] =	wrdreg s24  }
0x13: {  	s26 =	sadd.s32 $0xC800, s16;
	s28 =	sadd.s32 $0xDC00, s16;
	[dreg:$0x14] =	wrdreg s25  }
0x14: {  	s3 =	sadd.s32 $0x12C00, s16;
	s0 =	sadd.s32 s10, s0;
	[dreg:$0x15] =	wrdreg s26  }
0x15: {  	s11 =	sadd.s32 s8, s11;
	[dreg:$0x16] =	wrdreg s28;
	s15 =	simm.s32 $0x3  }
0x16: {  	s17 =	simm.s32 $0x2;
	s18 =	simm.s32 $0x4;
	s9 =	sadd.s32 s8, s9  }
0x17: {  	s29 =	sshrl.u32 s7, $0x3;
	s0 =	sadd.s32 $0x4F7E00, s0;
	[dreg:$0x8] =	wrdreg s9  }
0x18: {  	s19 =	simm.s32 $0x9300;
	s13 =	sadd.s32 s5, s29;
	[dreg:$0xa] =	wrdreg s0  }
0x19: {  	s20 =	simm.s32 $0x5;
	s30 =	sadd.s32 s6, s29;
	[dreg:$0x4] =	wrdreg s13  }
0x1a: {  	s10 =	sadd.s32 $0xFA, s29;
	s29 =	sadd.s32 $0xF000, s16;
	[dreg:$0x5] =	wrdreg s30  }
0x1b: {  	s21 =	simm.s32 $0x6;
	s31 =	sadd.s32 s5, s10;
	[dreg:$0x17] =	wrdreg s29  }
.Ltmp0:
0x1c: {  	s10 =	sadd.s32 s6, s10;
	[dreg:$0x6] =	wrdreg s31;
	(pc) =	sbr.rel .LBB2_1-.Ltmp0, $4  }
0x1d: {  	s22 =	simm.s32 $0x0;
	s13 =	sadd.s32 $0x280, s11;
	[dreg:$0x7] =	wrdreg s10  }
0x1e: {  	s9 =	simm.s32 $0x7F00;
	s30 =	sadd.s32 $0x10400, s16;
	[dreg:$0x9] =	wrdreg s13  }
0x1f: {  	s11 =	simm.s32 $0x28;
	[dreg:$0x18] =	wrdreg s30;
	s31 =	sadd.s32 $0x11800, s16  }
0x20: {  	v0 =	vimm.f32 $0.0e+00;
	s10 =	simm.s32 $0x7;
	s13 =	simm.s32 $0x5700;
	[dreg:$0x19] =	wrdreg s31  }
.LBB2_13:
0x21: {  	_ =	swait.ge [sflag:s20], $0x1400  }
0x22: {  	[sflag:s20] =	ssyncset.done $0x0  }
0x23: {  	[sflag:s20] =	ssyncadd.s32 $0xFFFFEC00  }
0x24: {  	_ =	swait.ge [sflag:s21], $0x1400  }
0x25: {  	[sflag:s21] =	ssyncset.done $0x0  }
0x26: {  	s0 =	stileid.u32;
	[sflag:s21] =	ssyncadd.s32 $0xFFFFEC00  }
0x27: {  	s0 =	sshll.u32 s0, $0x6;
	[bflag:$0x0] =	sbarrier.arrive $0xFFFF  }
0x28: {  	s23 =	sshrl.u32 s16, $0x3;
	s0 =	sor.u32 $0x1C07, s0;
	s24 =	rddreg [dreg:$0xa]  }
0x29: {  	[hbm:s24], [sflag:s0] =	dma.local [spmem:s23], $0x2800  }
0x2a: {  	_ =	swait.ge [sflag:s10], $0x2800  }
0x2b: {  	s22 =	sadd.s32 $0x1, s22;
	s31 =	rddreg [dreg:$0xb]  }
0x2c: {  	p0 =	sne.s32 s22, s31  }
.Ltmp1:
0x2d: {  	_ = 	snop;
	(pc) =	sbr.rel @!p0 .LBB2_14-.Ltmp1, $3  }
0x2e: {  	_ =	sdelay $0x1  }
0x2f: {  	[sflag:s10] =	ssyncset.done $0x0  }
0x30: {  	[sflag:s10] =	ssyncadd.s32 $0xFFFFD800  }
.LBB2_1:
0x31: {  	s0 =	simm.s32 $0x0;
	s23 =	simm.s32 $0x200  }
.LBB2_2:
0x32: {  	p0 =	sne.s32 s23, $0x4E00;
	[tilespmem:s0+$0x7F70] =	vst v0  }
0x33: {  	[tilespmem:s0+$0x7F00] =	vst v0  }
0x34: {  	[tilespmem:s0+$0x7F10] =	vst v0  }
.Ltmp2:
0x35: {  	[tilespmem:s0+$0x7F20] =	vst v0;
	(pc) =	sbr.rel @p0 .LBB2_2-.Ltmp2, $4  }
0x36: {  	[tilespmem:s0+$0x7F30] =	vst v0  }
0x37: {  	[tilespmem:s0+$0x7F40] =	vst v0  }
0x38: {  	[tilespmem:s0+$0x7F50] =	vst v0  }
0x39: {  	[tilespmem:s0+$0x7F60] =	vst v0;
	s0 =	sshra.s32 s23, $0x2;
	s23 =	sadd.s32 $0x200, s23  }
0x3a: {  	[tilespmem:s0+$0x7F70] =	vst v0  }
0x3b: {  	[tilespmem:s0+$0x7F00] =	vst v0  }
0x3c: {  	[tilespmem:s0+$0x7F10] =	vst v0  }
0x3d: {  	[tilespmem:s0+$0x7F20] =	vst v0  }
0x3e: {  	[tilespmem:s0+$0x7F30] =	vst v0  }
0x3f: {  	[tilespmem:s0+$0x7F40] =	vst v0  }
0x40: {  	[tilespmem:s0+$0x7F50] =	vst v0  }
0x41: {  	[tilespmem:s0+$0x7F60] =	vst v0  }
0x42: {  	[spmem:s16] =	stream.linear.scatter [tilespmem:s9], [sflag:$0x7], $0x1400, $0x38;
	[tilespmem:$0x1E700] =	vst v63  }
0x43: {  	_ =	swait.ge [sflag:s10], $0x1400  }
0x44: {  	[sflag:s10] =	ssyncset.done $0x0  }
0x45: {  	s30 =	rddreg [dreg:$0xc];
	[sflag:s10] =	ssyncadd.s32 $0xFFFFEC00  }
0x46: {  	[spmem:s30] =	stream.linear.scatter [tilespmem:s9], [sflag:$0x7], $0x1400, $0x38;
	[tilespmem:$0x1E700] =	vst v63  }
0x47: {  	_ =	swait.ge [sflag:s10], $0x1400  }
0x48: {  	[sflag:s10] =	ssyncset.done $0x0  }
0x49: {  	s31 =	rddreg [dreg:$0xd];
	[sflag:s10] =	ssyncadd.s32 $0xFFFFEC00  }
0x4a: {  	[spmem:s31] =	stream.linear.scatter [tilespmem:s9], [sflag:$0x7], $0x1400, $0x38;
	[tilespmem:$0x1E700] =	vst v63  }
0x4b: {  	_ =	swait.ge [sflag:s10], $0x1400  }
0x4c: {  	[sflag:s10] =	ssyncset.done $0x0  }
0x4d: {  	s23 =	rddreg [dreg:$0xe];
	[sflag:s10] =	ssyncadd.s32 $0xFFFFEC00  }
0x4e: {  	[spmem:s23] =	stream.linear.scatter [tilespmem:s9], [sflag:$0x7], $0x1400, $0x38;
	[tilespmem:$0x1E700] =	vst v63  }
0x4f: {  	_ =	swait.ge [sflag:s10], $0x1400  }
0x50: {  	[sflag:s10] =	ssyncset.done $0x0  }
0x51: {  	s24 =	rddreg [dreg:$0xf];
	[sflag:s10] =	ssyncadd.s32 $0xFFFFEC00  }
0x52: {  	[spmem:s24] =	stream.linear.scatter [tilespmem:s9], [sflag:$0x7], $0x1400, $0x38;
	[tilespmem:$0x1E700] =	vst v63  }
0x53: {  	_ =	swait.ge [sflag:s10], $0x1400  }
0x54: {  	[sflag:s10] =	ssyncset.done $0x0  }
0x55: {  	s25 =	rddreg [dreg:$0x10];
	[sflag:s10] =	ssyncadd.s32 $0xFFFFEC00  }
0x56: {  	[spmem:s25] =	stream.linear.scatter [tilespmem:s9], [sflag:$0x7], $0x1400, $0x38;
	[tilespmem:$0x1E700] =	vst v63  }
0x57: {  	_ =	swait.ge [sflag:s10], $0x1400  }
0x58: {  	[sflag:s10] =	ssyncset.done $0x0  }
0x59: {  	s26 =	rddreg [dreg:$0x11];
	[sflag:s10] =	ssyncadd.s32 $0xFFFFEC00  }
0x5a: {  	[spmem:s26] =	stream.linear.scatter [tilespmem:s9], [sflag:$0x7], $0x1400, $0x38;
	[tilespmem:$0x1E700] =	vst v63  }
0x5b: {  	_ =	swait.ge [sflag:s10], $0x1400  }
0x5c: {  	[sflag:s10] =	ssyncset.done $0x0  }
0x5d: {  	s28 =	rddreg [dreg:$0x12];
	[sflag:s10] =	ssyncadd.s32 $0xFFFFEC00  }
0x5e: {  	[spmem:s28] =	stream.linear.scatter [tilespmem:s9], [sflag:$0x7], $0x1400, $0x38;
	[tilespmem:$0x1E700] =	vst v63  }
0x5f: {  	_ =	swait.ge [sflag:s10], $0x1400  }
0x60: {  	[sflag:s10] =	ssyncset.done $0x0  }
0x61: {  	s29 =	rddreg [dreg:$0x13];
	[sflag:s10] =	ssyncadd.s32 $0xFFFFEC00  }
0x62: {  	[spmem:s29] =	stream.linear.scatter [tilespmem:s9], [sflag:$0x7], $0x1400, $0x38;
	[tilespmem:$0x1E700] =	vst v63  }
0x63: {  	_ =	swait.ge [sflag:s10], $0x1400  }
0x64: {  	[sflag:s10] =	ssyncset.done $0x0  }
0x65: {  	s30 =	rddreg [dreg:$0x14];
	[sflag:s10] =	ssyncadd.s32 $0xFFFFEC00  }
0x66: {  	[spmem:s30] =	stream.linear.scatter [tilespmem:s9], [sflag:$0x7], $0x1400, $0x38;
	[tilespmem:$0x1E700] =	vst v63  }
0x67: {  	_ =	swait.ge [sflag:s10], $0x1400  }
0x68: {  	[sflag:s10] =	ssyncset.done $0x0  }
0x69: {  	s31 =	rddreg [dreg:$0x15];
	[sflag:s10] =	ssyncadd.s32 $0xFFFFEC00  }
0x6a: {  	[spmem:s31] =	stream.linear.scatter [tilespmem:s9], [sflag:$0x7], $0x1400, $0x38;
	[tilespmem:$0x1E700] =	vst v63  }
0x6b: {  	_ =	swait.ge [sflag:s10], $0x1400  }
0x6c: {  	[sflag:s10] =	ssyncset.done $0x0  }
0x6d: {  	s23 =	rddreg [dreg:$0x16];
	[sflag:s10] =	ssyncadd.s32 $0xFFFFEC00  }
0x6e: {  	[spmem:s23] =	stream.linear.scatter [tilespmem:s9], [sflag:$0x7], $0x1400, $0x38;
	[tilespmem:$0x1E700] =	vst v63  }
0x6f: {  	_ =	swait.ge [sflag:s10], $0x1400  }
0x70: {  	[sflag:s10] =	ssyncset.done $0x0  }
0x71: {  	s24 =	rddreg [dreg:$0x17];
	[sflag:s10] =	ssyncadd.s32 $0xFFFFEC00  }
0x72: {  	[spmem:s24] =	stream.linear.scatter [tilespmem:s9], [sflag:$0x7], $0x1400, $0x38;
	[tilespmem:$0x1E700] =	vst v63  }
0x73: {  	_ =	swait.ge [sflag:s10], $0x1400  }
0x74: {  	[sflag:s10] =	ssyncset.done $0x0  }
0x75: {  	s25 =	rddreg [dreg:$0x18];
	[sflag:s10] =	ssyncadd.s32 $0xFFFFEC00  }
0x76: {  	[spmem:s25] =	stream.linear.scatter [tilespmem:s9], [sflag:$0x7], $0x1400, $0x38;
	[tilespmem:$0x1E700] =	vst v63  }
0x77: {  	_ =	swait.ge [sflag:s10], $0x1400  }
0x78: {  	[sflag:s10] =	ssyncset.done $0x0  }
0x79: {  	s26 =	rddreg [dreg:$0x19];
	[sflag:s10] =	ssyncadd.s32 $0xFFFFEC00  }
0x7a: {  	[spmem:s26] =	stream.linear.scatter [tilespmem:s9], [sflag:$0x7], $0x1400, $0x38;
	[tilespmem:$0x1E700] =	vst v63  }
0x7b: {  	_ =	swait.ge [sflag:s10], $0x1400  }
0x7c: {  	[sflag:s10] =	ssyncset.done $0x0  }
0x7d: {  	[sflag:s10] =	ssyncadd.s32 $0xFFFFEC00  }
0x7e: {  	[spmem:s3] =	stream.linear.scatter [tilespmem:s9], [sflag:$0x7], $0x1400, $0x38;
	[tilespmem:$0x1E700] =	vst v63  }
0x7f: {  	_ =	swait.ge [sflag:s10], $0x1400  }
0x80: {  	[sflag:s10] =	ssyncset.done $0x0  }
0x81: {  	[sflag:s10] =	ssyncadd.s32 $0xFFFFEC00  }
0x82: {  	[bflag:$0x0] =	sbarrier.arrive $0xFFFF  }
0x83: {  	s23 =	simm.s32 $0x0;
	s28 =	rddreg [dreg:$0x4]  }
0x84: {  	[tilespmem:s23], [sflag:$0x7] =	stream.linear.gather [hbm4b:s28+s23], $0x7D0, $0x38;
	[tilespmem:$0x1E700] =	vst v63  }
0x85: {  	_ =	swait.ge [sflag:s10], $0x7D0  }
0x86: {  	[sflag:s10] =	ssyncset.done $0x0  }
0x87: {  	s24 =	simm.s32 $0x1780;
	s29 =	rddreg [dreg:$0x5];
	[sflag:s10] =	ssyncadd.s32 $0xFFFFF830  }
0x88: {  	[tilespmem:s24], [sflag:$0x7] =	stream.linear.gather [hbm4b:s29+s23], $0x7D0, $0x38;
	[tilespmem:$0x1E700] =	vst v63  }
0x89: {  	_ =	swait.ge [sflag:s10], $0x7D0  }
0x8a: {  	[sflag:s10] =	ssyncset.done $0x0  }
0x8b: {  	s31 =	simm.s32 $0x7D0;
	s30 =	rddreg [dreg:$0x6];
	[sflag:s10] =	ssyncadd.s32 $0xFFFFF830  }
0x8c: {  	[tilespmem:s31], [sflag:$0x7] =	stream.linear.gather [hbm4b:s30+s23], $0x7D0, $0x38;
	[tilespmem:$0x1E700] =	vst v63  }
0x8d: {  	_ =	swait.ge [sflag:s10], $0x7D0  }
0x8e: {  	[sflag:s10] =	ssyncset.done $0x0  }
0x8f: {  	s26 =	simm.s32 $0x1F50;
	s25 =	rddreg [dreg:$0x7];
	[sflag:s10] =	ssyncadd.s32 $0xFFFFF830  }
0x90: {  	[tilespmem:s26], [sflag:$0x7] =	stream.linear.gather [hbm4b:s25+s23], $0x7D0, $0x38;
	[tilespmem:$0x1E700] =	vst v63  }
0x91: {  	_ =	swait.ge [sflag:s10], $0x7D0  }
0x92: {  	[sflag:s10] =	ssyncset.done $0x0  }
0x93: {  	[sflag:s10] =	ssyncadd.s32 $0xFFFFF830  }
0x94: {  	[tilespmem:s12], [sflag:$0x1] =	stream.indirect.gather [hbm4b:s1+s11], $0x80, s23, s11, $0xb8;
	[tilespmem:$0x1E700] =	vst v63  }
0x95: {  	s28 =	rddreg [dreg:$0x8]  }
0x96: {  	[tilespmem:s13], [sflag:$0x3] =	stream.linear.gather [hbm4b:s28+s23], $0x1400, $0x38;
	[tilespmem:$0x1E700] =	vst v63  }
0x97: {  	s29 =	simm.s32 $0x4300  }
0x98: {  	[tilespmem:s29], [sflag:$0x2] =	stream.indirect.gather [hbm4b:s1+s11], $0x80, s11, s11, $0xb8;
	[tilespmem:$0x1E700] =	vst v63  }
0x99: {  	s31 =	simm.s32 $0x6B00;
	s30 =	rddreg [dreg:$0x9]  }
0x9a: {  	[tilespmem:s31], [sflag:$0x4] =	stream.linear.gather [hbm4b:s30+s23], $0x1400, $0x38;
	[tilespmem:$0x1E700] =	vst v63  }
.LBB2_4:
0x9b: {  	_ =	swait.ge [sflag:s14], $0x1400  }
0x9c: {  	[sflag:s14] =	ssyncset.done $0x0  }
0x9d: {  	[sflag:s14] =	ssyncadd.s32 $0xFFFFEC00  }
0x9e: {  	_ =	swait.ge [sflag:s15], $0x1400  }
0x9f: {  	p0 =	seq.s32 s23, $0x0;
	[sflag:s15] =	ssyncset.done $0x0  }
0xa0: {  	s0 =	simm.s32 @!p0 $0x5;
	[sflag:s15] =	ssyncadd.s32 $0xFFFFEC00  }
0xa1: {  	_ =	swait.ge @!p0 [sflag:s0], $0x1400  }
0xa2: {  	[sflag:s0] =	ssyncset.done @!p0 $0x0  }
0xa3: {  	s25 =	simm.s32 $0x0;
	[sflag:s0] =	ssyncadd.s32 @!p0 $0xFFFFEC00  }
0xa4: {  	v1 =	vld [tilespmem:s25+$0x2F70]  }
0xa5: {  	v2 =	vld [tilespmem:s25+$0x5770]  }
0xa6: {  	v3 =	vld [tilespmem:s25+$0x2F00]  }
0xa7: {  	v4 =	vld [tilespmem:s25+$0x5700]  }
0xa8: {  	v5 =	vld [tilespmem:s25+$0x2F10]  }
0xa9: {  	v6 =	vld [tilespmem:s25+$0x5710]  }
0xaa: {  	v7 =	vld [tilespmem:s25+$0x2F20]  }
0xab: {  	v8 =	vld [tilespmem:s25+$0x2F30]  }
0xac: {  	v1 =	vmul.f32 v2, v1;
	v2 =	vld [tilespmem:s25+$0x5720]  }
0xad: {  	s26 =	smul.u32 $0x52, s23;
	v3 =	vmul.f32 v4, v3;
	v4 =	vld [tilespmem:s25+$0x5730]  }
0xae: {  	v9 =	vld [tilespmem:s25+$0x5740]  }
0xaf: {  	s24 =	smul.u32 $0x29, s23;
	s0 =	sshrl.u32 s26, $0xB;
	[tilespmem:s25+$0x7F70] =	vst v1;
	v1 =	vmul.f32 v6, v5;
	v6 =	vld [tilespmem:s25+$0x2F40]  }
0xb0: {  	s0 =	sand.u32 $0x1F, s0;
	[tilespmem:s25+$0x7F00] =	vst v3;
	v3 =	vld [tilespmem:s25+$0x5750]  }
0xb1: {  	s26 =	sshrl.u32 s24, $0xA;
	s0 =	smul.u32 $0x32, s0;
	[tilespmem:s25+$0x7F10] =	vst v1;
	v1 =	vld [tilespmem:s25+$0x2F50];
	v2 =	vmul.f32 v2, v7  }
0xb2: {  	s31 =	simm.s32 $0x80;
	s24 =	sshll.u32 s23, $0x1;
	s26 =	sand.u32 $0x3F, s26;
	v5 =	vld [tilespmem:s25+$0x5760];
	v7 =	vmul.f32 v4, v8  }
0xb3: {  	p1 =	slt.u32 s23, $0x4B;
	s29 =	sadd.s32 $0xFFFFFFFD, s26;
	s28 =	ssub.s32 s24, s0;
	[tilespmem:s25+$0x7F20] =	vst v2;
	v2 =	vld [tilespmem:s25+$0x2F60]  }
0xb4: {  	s29 =	smov.u32 @p1 s26;
	s0 =	simm.s32 $0x400;
	s30 =	sand.u32 $0xFE, s28;
	v6 =	vmul.f32 v9, v6;
	v4 =	vld [tilespmem:s31+$0x2F70];
	[tilespmem:s25+$0x7F30] =	vst v7  }
.LBB2_5:
0xb5: {  	p1 =	sne.s32 s0, $0x4E00;
	v7 =	vld [tilespmem:s31+$0x5770]  }
0xb6: {  	v8 =	vld [tilespmem:s31+$0x2F00];
	[tilespmem:s25+$0x7F40] =	vst v6;
	v1 =	vmul.f32 v3, v1  }
0xb7: {  	v3 =	vld [tilespmem:s31+$0x5700]  }
0xb8: {  	v6 =	vld [tilespmem:s31+$0x2F10];
	[tilespmem:s25+$0x7F50] =	vst v1;
	v1 =	vmul.f32 v5, v2  }
0xb9: {  	v2 =	vld [tilespmem:s31+$0x5710]  }
0xba: {  	v5 =	vld [tilespmem:s31+$0x2F20];
	v4 =	vmul.f32 v7, v4;
	[tilespmem:s25+$0x7F60] =	vst v1;
	s25 =	smov.u32 s31  }
0xbb: {  	v1 =	vld [tilespmem:s25+$0x5720]  }
0xbc: {  	v3 =	vmul.f32 v3, v8;
	v7 =	vld [tilespmem:s25+$0x2F30];
	[tilespmem:s25+$0x7F70] =	vst v4  }
0xbd: {  	v4 =	vld [tilespmem:s25+$0x5730]  }
0xbe: {  	[tilespmem:s25+$0x7F00] =	vst v3;
	v2 =	vmul.f32 v2, v6;
	v6 =	vld [tilespmem:s25+$0x2F40]  }
0xbf: {  	v8 =	vld [tilespmem:s25+$0x5740]  }
.Ltmp3:
0xc0: {  	[tilespmem:s25+$0x7F10] =	vst v2;
	v2 =	vmul.f32 v1, v5;
	v1 =	vld [tilespmem:s25+$0x2F50];
	(pc) =	sbr.rel @p1 .LBB2_5-.Ltmp3, $4  }
0xc1: {  	v3 =	vld [tilespmem:s25+$0x5750]  }
0xc2: {  	[tilespmem:s25+$0x7F20] =	vst v2;
	v7 =	vmul.f32 v4, v7;
	v2 =	vld [tilespmem:s25+$0x2F60]  }
0xc3: {  	s31 =	sshra.s32 s0, $0x2;
	v5 =	vld [tilespmem:s25+$0x5760]  }
0xc4: {  	s0 =	sadd.s32 $0x200, s0;
	v4 =	vld [tilespmem:s31+$0x2F70];
	[tilespmem:s25+$0x7F30] =	vst v7;
	v6 =	vmul.f32 v8, v6  }
0xc5: {  	v7 =	vld [tilespmem:s31+$0x5770]  }
0xc6: {  	v8 =	vld [tilespmem:s31+$0x2F00];
	[tilespmem:s25+$0x7F40] =	vst v6;
	v1 =	vmul.f32 v3, v1  }
0xc7: {  	v3 =	vld [tilespmem:s31+$0x5700]  }
0xc8: {  	v6 =	vld [tilespmem:s31+$0x2F10];
	[tilespmem:s25+$0x7F50] =	vst v1;
	v1 =	vmul.f32 v5, v2  }
0xc9: {  	v2 =	vld [tilespmem:s31+$0x5710]  }
0xca: {  	v57 =	vld [tilespmem:s31+$0x2F20];
	[tilespmem:s25+$0x7F60] =	vst v1  }
0xcb: {  	v58 =	vld [tilespmem:s31+$0x5720]  }
0xcc: {  	v59 =	vld [tilespmem:s31+$0x2F30]  }
0xcd: {  	v1 =	vmul.f32 v7, v4;
	v60 =	vld [tilespmem:s31+$0x5740]  }
0xce: {  	v61 =	vld [tilespmem:s31+$0x2F50];
	v3 =	vmul.f32 v3, v8  }
0xcf: {  	v62 =	vld [tilespmem:s31+$0x5750];
	[tilespmem:s31+$0x7F70] =	vst v1;
	v2 =	vmul.f32 v2, v6  }
0xd0: {  	v1 =	vld [tilespmem:s31+$0x5730];
	[tilespmem:s31+$0x7F00] =	vst v3  }
0xd1: {  	v3 =	vld [tilespmem:s31+$0x2F40];
	[tilespmem:s31+$0x7F10] =	vst v2;
	v2 =	vmul.f32 v58, v57  }
0xd2: {  	v63 =	vld [tilespmem:s31+$0x5760]  }
0xd3: {  	[tilespmem:s31+$0x7F20] =	vst v2;
	v2 =	vld [tilespmem:s31+$0x2F60];
	_ =	sdelay $0x1  }
0xd4: {  	v1 =	vmul.f32 v1, v59  }
0xd5: {  	v3 =	vmul.f32 v60, v3  }
0xd6: {  	[tilespmem:s31+$0x7F30] =	vst v1;
	v1 =	vmul.f32 v62, v61  }
0xd7: {  	[tilespmem:s31+$0x7F40] =	vst v3;
	v2 =	vmul.f32 v63, v2  }
0xd8: {  	[tilespmem:s31+$0x7F50] =	vst v1  }
0xd9: {  	[tilespmem:s31+$0x7F60] =	vst v2;
	s31 =	sand.u32 $0xFF, s28  }
0xda: {  	p1 =	sne.s32 s31, $0x2  }
0xdb: {  	s0 =	smul.u32 $0x1F40, s29;
	p2 =	sgt.u32 @!p1 s23, $0x4A  }
0xdc: {  	s30 =	smul.u32 $0xA0, s30;
	p1 =	por p1, p2  }
.Ltmp4:
0xdd: {  	_ = 	snop;
	(pc) =	sbr.rel @p1 .LBB2_8-.Ltmp4, $4  }
0xde: {  	s0 =	sshra.s32 s0, $0x2  }
0xdf: {  	s30 =	sshrl.u32 s30, $0x2;
	s25 =	sadd.s32 $0x1780, s0  }
0xe0: {  	s0 =	sadd.s32 s30, s25  }
0xe1: {  	[spmem:s2] =	stream.indirect.scatter.add.f32 [tilespmem:s9], [sflag:$0x5], $0x80, s0, s11, $0xb8;
	[tilespmem:$0x1E700] =	vst v63  }
0xe2: {  	s0 =	sadd.s32 $0x2, s26  }
0xe3: {  	s26 =	smul.u32 $0x56, s0;
	_ =	sdelay $0x1  }
0xe4: {  	s26 =	sshrl.u32 s26, $0x8  }
0xe5: {  	s26 =	smul.u32 $0x3, s26  }
0xe6: {  	s28 =	smul.u32 $0x7D0, s0  }
0xe7: {  	s0 =	ssub.s32 s0, s26  }
0xe8: {  	s30 =	sadd.s32 s7, s28;
	s0 =	sand.u32 $0xFF, s0  }
0xe9: {  	s26 =	sshrl.u32 s30, $0x3;
	s0 =	smul.u32 $0x7D0, s0  }
0xea: {  	s31 =	sadd.s32 s5, s26  }
0xeb: {  	[tilespmem:s0], [sflag:$0x7] =	stream.linear.gather [hbm4b:s31+s4], $0x7D0, $0x38;
	[tilespmem:$0x1E700] =	vst v63  }
0xec: {  	_ =	swait.ge [sflag:s10], $0x7D0  }
0xed: {  	[sflag:s10] =	ssyncset.done $0x0  }
0xee: {  	s26 =	sadd.s32 s6, s26;
	s0 =	sadd.s32 $0x1780, s0;
	[sflag:s10] =	ssyncadd.s32 $0xFFFFF830  }
0xef: {  	[tilespmem:s0], [sflag:$0x7] =	stream.linear.gather [hbm4b:s26+s4], $0x7D0, $0x38;
	[tilespmem:$0x1E700] =	vst v63  }
0xf0: {  	_ =	swait.ge [sflag:s10], $0x7D0  }
0xf1: {  	[sflag:s10] =	ssyncset.done $0x0  }
0xf2: {  	[sflag:s10] =	ssyncadd.s32 $0xFFFFF830  }
.LBB2_9:
0xf3: {  	s0 =	sadd.s32 $0x2, s24  }
0xf4: {  	s26 =	smulhi.u32 $0x51EB851F, s0;
	_ =	sdelay $0x1  }
0xf5: {  	s26 =	sshrl.u32 s26, $0x4  }
0xf6: {  	s28 =	smulhi.u32 $0x55555556, s26  }
0xf7: {  	s29 =	smul.u32 $0x32, s26  }
0xf8: {  	s28 =	smul.u32 $0x3, s28  }
0xf9: {  	s31 =	ssub.s32 s0, s29;
	s0 =	smul.u32 $0x28, s0  }
0xfa: {  	s26 =	ssub.s32 s26, s28;
	s28 =	smul.u32 $0xA0, s31  }
0xfb: {  	s26 =	smul.u32 $0x1F40, s26;
	_ =	sdelay $0x1  }
0xfc: {  	s0 =	sadd.s32 s7, s0;
	s28 =	sshrl.u32 s28, $0x2;
	s26 =	sshrl.u32 s26, $0x2  }
0xfd: {  	s0 =	sshll.u32 s0, $0x4;
	s26 =	sadd.s32 s28, s26  }
0xfe: {  	[tilespmem:s12], [sflag:$0x1] =	stream.indirect.gather [hbm4b:s1+s11], $0x80, s26, s11, $0xb8;
	[tilespmem:$0x1E700] =	vst v63  }
0xff: {  	p1 =	por $0x0, $0x0;
	s0 =	sadd.s32 s8, s0  }
0x100: {  	[tilespmem:s13], [sflag:$0x3] =	stream.linear.gather [hbm4b:s0+s4], $0x1400, $0x38;
	[tilespmem:$0x1E700] =	vst v63  }
.LBB2_10:
0x101: {  	_ =	swait.ge [sflag:s17], $0x1400  }
0x102: {  	[sflag:s17] =	ssyncset.done $0x0  }
0x103: {  	[sflag:s17] =	ssyncadd.s32 $0xFFFFEC00  }
0x104: {  	_ =	swait.ge [sflag:s18], $0x1400  }
0x105: {  	[sflag:s18] =	ssyncset.done $0x0  }
0x106: {  	s0 =	simm.s32 @!p0 $0x6;
	[sflag:s18] =	ssyncadd.s32 $0xFFFFEC00  }
0x107: {  	_ =	swait.ge @!p0 [sflag:s0], $0x1400  }
0x108: {  	[sflag:s0] =	ssyncset.done @!p0 $0x0  }
0x109: {  	s26 =	simm.s32 $0x0;
	[sflag:s0] =	ssyncadd.s32 @!p0 $0xFFFFEC00  }
0x10a: {  	v1 =	vld [tilespmem:s26+$0x4370]  }
0x10b: {  	v2 =	vld [tilespmem:s26+$0x6B70]  }
0x10c: {  	v3 =	vld [tilespmem:s26+$0x4300]  }
0x10d: {  	v4 =	vld [tilespmem:s26+$0x6B00]  }
0x10e: {  	v5 =	vld [tilespmem:s26+$0x4310]  }
0x10f: {  	v6 =	vld [tilespmem:s26+$0x6B10]  }
0x110: {  	v7 =	vld [tilespmem:s26+$0x4320]  }
0x111: {  	v8 =	vld [tilespmem:s26+$0x4330]  }
0x112: {  	v1 =	vmul.f32 v2, v1;
	v2 =	vld [tilespmem:s26+$0x6B20]  }
0x113: {  	v9 =	vld [tilespmem:s26+$0x6B30]  }
0x114: {  	s31 =	sor.u32 $0x1, s24;
	v10 =	vld [tilespmem:s26+$0x6B40]  }
0x115: {  	s28 =	smulhi.u32 $0x51EB851F, s31;
	[tilespmem:s26+$0x9370] =	vst v1;
	v1 =	vmul.f32 v6, v5;
	v6 =	vld [tilespmem:s26+$0x4340]  }
0x116: {  	v3 =	vmul.f32 v4, v3;
	v4 =	vld [tilespmem:s26+$0x6B50]  }
0x117: {  	s28 =	sshrl.u32 s28, $0x4;
	[tilespmem:s26+$0x9310] =	vst v1;
	v1 =	vld [tilespmem:s26+$0x4350];
	v2 =	vmul.f32 v2, v7  }
0x118: {  	s28 =	smul.u32 $0x32, s28;
	[tilespmem:s26+$0x9300] =	vst v3;
	v5 =	vld [tilespmem:s26+$0x6B60];
	v7 =	vmul.f32 v9, v8  }
0x119: {  	s29 =	simm.s32 $0x80;
	[tilespmem:s26+$0x9320] =	vst v2;
	v2 =	vld [tilespmem:s26+$0x4360]  }
0x11a: {  	s28 =	ssub.s32 s31, s28;
	s0 =	simm.s32 $0x400;
	v6 =	vmul.f32 v10, v6;
	v3 =	vld [tilespmem:s29+$0x4370];
	[tilespmem:s26+$0x9330] =	vst v7  }
.LBB2_11:
0x11b: {  	p0 =	sne.s32 s0, $0x4E00;
	v7 =	vld [tilespmem:s29+$0x6B70]  }
0x11c: {  	v8 =	vld [tilespmem:s29+$0x4300];
	[tilespmem:s26+$0x9340] =	vst v6;
	v1 =	vmul.f32 v4, v1  }
0x11d: {  	v4 =	vld [tilespmem:s29+$0x6B00]  }
0x11e: {  	v6 =	vld [tilespmem:s29+$0x4310];
	[tilespmem:s26+$0x9350] =	vst v1;
	v1 =	vmul.f32 v5, v2  }
0x11f: {  	v2 =	vld [tilespmem:s29+$0x6B10]  }
0x120: {  	v5 =	vld [tilespmem:s29+$0x4320];
	v3 =	vmul.f32 v7, v3;
	[tilespmem:s26+$0x9360] =	vst v1;
	s26 =	smov.u32 s29  }
0x121: {  	v1 =	vld [tilespmem:s26+$0x6B20]  }
0x122: {  	v4 =	vmul.f32 v4, v8;
	v7 =	vld [tilespmem:s26+$0x4330];
	[tilespmem:s26+$0x9370] =	vst v3  }
0x123: {  	v3 =	vld [tilespmem:s26+$0x6B30]  }
0x124: {  	[tilespmem:s26+$0x9300] =	vst v4;
	v2 =	vmul.f32 v2, v6;
	v6 =	vld [tilespmem:s26+$0x4340]  }
0x125: {  	v8 =	vld [tilespmem:s26+$0x6B40]  }
.Ltmp5:
0x126: {  	[tilespmem:s26+$0x9310] =	vst v2;
	v2 =	vmul.f32 v1, v5;
	v1 =	vld [tilespmem:s26+$0x4350];
	(pc) =	sbr.rel @p0 .LBB2_11-.Ltmp5, $4  }
0x127: {  	v4 =	vld [tilespmem:s26+$0x6B50]  }
0x128: {  	[tilespmem:s26+$0x9320] =	vst v2;
	v7 =	vmul.f32 v3, v7;
	v2 =	vld [tilespmem:s26+$0x4360]  }
0x129: {  	s29 =	sshra.s32 s0, $0x2;
	v5 =	vld [tilespmem:s26+$0x6B60]  }
0x12a: {  	s0 =	sadd.s32 $0x200, s0;
	v3 =	vld [tilespmem:s29+$0x4370];
	[tilespmem:s26+$0x9330] =	vst v7;
	v6 =	vmul.f32 v8, v6  }
0x12b: {  	v7 =	vld [tilespmem:s29+$0x6B70]  }
0x12c: {  	v8 =	vld [tilespmem:s29+$0x4300];
	[tilespmem:s26+$0x9340] =	vst v6;
	v1 =	vmul.f32 v4, v1  }
0x12d: {  	v57 =	vld [tilespmem:s29+$0x6B00]  }
0x12e: {  	v6 =	vld [tilespmem:s29+$0x4310];
	[tilespmem:s26+$0x9350] =	vst v1;
	v1 =	vmul.f32 v5, v2  }
0x12f: {  	v2 =	vld [tilespmem:s29+$0x6B10]  }
0x130: {  	v58 =	vld [tilespmem:s29+$0x4320];
	[tilespmem:s26+$0x9360] =	vst v1  }
0x131: {  	v1 =	vmul.f32 v7, v3;
	v3 =	vld [tilespmem:s29+$0x6B20]  }
0x132: {  	v59 =	vld [tilespmem:s29+$0x4330]  }
0x133: {  	v60 =	vld [tilespmem:s29+$0x4340]  }
0x134: {  	v61 =	vld [tilespmem:s29+$0x6B40]  }
0x135: {  	s0 =	sadd.s32 @!p1 $0x3, s24;
	v62 =	vld [tilespmem:s29+$0x6B50];
	v2 =	vmul.f32 v2, v6  }
0x136: {  	s24 =	smulhi.u32 @!p1 $0x51EB851F, s0;
	[tilespmem:s29+$0x9370] =	vst v1;
	v1 =	vld [tilespmem:s29+$0x6B30]  }
0x137: {  	v63 =	vld [tilespmem:s29+$0x6B60];
	[tilespmem:s29+$0x9310] =	vst v2;
	v2 =	vmul.f32 v3, v58  }
0x138: {  	s28 =	smul.u32 $0xA0, s28;
	s24 =	sshrl.u32 @!p1 s24, $0x4;
	v3 =	vld [tilespmem:s29+$0x4350]  }
0x139: {  	s26 =	smulhi.u32 @!p1 $0x55555556, s24;
	[tilespmem:s29+$0x9320] =	vst v2;
	v2 =	vld [tilespmem:s29+$0x4360]  }
0x13a: {  	s30 =	smul.u32 @!p1 $0x32, s24;
	v4 =	vmul.f32 v57, v8  }
0x13b: {  	s26 =	smul.u32 @!p1 $0x3, s26;
	v1 =	vmul.f32 v1, v59  }
0x13c: {  	s31 =	sshra.s32 s28, $0x2;
	[tilespmem:s29+$0x9300] =	vst v4;
	v4 =	vmul.f32 v61, v60  }
0x13d: {  	s28 =	ssub.s32 @!p1 s0, s30;
	s0 =	smul.u32 @!p1 $0x28, s0;
	s24 =	ssub.s32 @!p1 s24, s26;
	[tilespmem:s29+$0x9330] =	vst v1;
	v1 =	vmul.f32 v62, v3  }
0x13e: {  	s23 =	sadd.s32 $0x1, s23;
	s24 =	smul.u32 @!p1 $0x1F40, s24;
	[tilespmem:s29+$0x9340] =	vst v4;
	v2 =	vmul.f32 v63, v2  }
0x13f: {  	p0 =	sne.s32 s23, $0x7D;
	s25 =	sadd.s32 s31, s25;
	s0 =	sadd.s32 @!p1 s7, s0;
	[tilespmem:s29+$0x9350] =	vst v1  }
0x140: {  	s26 =	smul.u32 @!p1 $0xA0, s28;
	s0 =	sshll.u32 @!p1 s0, $0x4;
	s24 =	sshrl.u32 @!p1 s24, $0x2;
	[tilespmem:s29+$0x9360] =	vst v2  }
0x141: {  	[spmem:s2] =	stream.indirect.scatter.add.f32 [tilespmem:s19], [sflag:$0x6], $0x80, s25, s11, $0xb8;
	[tilespmem:$0x1E700] =	vst v63  }
.Ltmp6:
0x142: {  	s25 =	sshrl.u32 @!p1 s26, $0x2;
	s26 =	simm.s32 @!p1 $0x4300;
	(pc) =	sbr.rel @p0 .LBB2_4-.Ltmp6, $4  }
.Ltmp7:
0x143: {  	s24 =	sadd.s32 @!p1 s25, s24;
	s25 =	simm.s32 @!p1 $0x28;
	(pc) =	sbr.rel @!p0 .LBB2_13-.Ltmp7, $4  }
0x144: {  	[tilespmem:s26], [sflag:$0x2] =	stream.indirect.gather @!p1 [hbm4b:s1+s25], $0x80, s24, s25, $0xb8;
	[tilespmem:$0x1E700] =	vst v63  }
0x145: {  	s0 =	sadd.s32 @!p1 s8, s0;
	s24 =	simm.s32 @!p1 $0x0;
	s25 =	simm.s32 @!p1 $0x6B00  }
0x146: {  	[tilespmem:s25], [sflag:$0x4] =	stream.linear.gather @!p1 [hbm4b:s0+s24], $0x1400, $0x38;
	[tilespmem:$0x1E700] =	vst v63  }
0x147: {  	_ = 	snop  }
.LBB2_8:
0x148: {  	p2 =	seq.s32 s23, $0x7C  }
.Ltmp8:
0x149: {  	_ = 	snop;
	(pc) =	sbr.rel @p2 .LBB2_10-.Ltmp8, $4  }
.Ltmp9:
0x14a: {  	_ = 	snop;
	(pc) =	sbr.rel @!p2 .LBB2_9-.Ltmp9, $4  }
0x14b: {  	_ = 	snop  }
0x14c: {  	_ = 	snop  }
0x14d: {  	p1 =	por $0x1, $0x1  }
0x14e: {  	_ = 	snop  }
.LBB2_14:
0x14f: {  	_ =	sfence.sel $0x180000  }
0x150: {  	[bflag:$0x0] =	sbarrier.arrive $0xFFFF  }
0x151: {  	_ =	strace $0x90000047  }
0x152: {  	s0 =	stileid.u32;
	[bflag:$0x2] =	sbarrier.arrive $0xFFFF  }
0x153: {  	p0 =	sne.s32 s0, $0x0;
	s0 =	rddreg [dreg:$0x3]  }
0x154: {  	s0 =	sadd.s32 @!p0 $0x100000, s0  }
0x155: {  	[sflag:s0] =	ssyncadd.tile.s32 @!p0 $0x1;
	_ =	shalt  }
.Lfunc_end2:
_tile_overlayer_lowered:
.L_overlay_start_2:
0x156: {  	(tag) =	ssettag $0x2  }
0x157: {  	s0 =	rddreg [dreg:$0x0];
	s2 =	stileid.u32  }
0x158: {  	s1 =	rddreg [dreg:$0x1];
	p0 =	sne.s32 s2, $0x0  }
0x159: {  	s3 =	rddreg [dreg:$0x2];
	[bflag:$0x3] =	sbarrier.arrive $0xFFFF;
	s2 =	simm.s32 @!p0 $0x1C07  }
0x15a: {  	[timem:s3], [sflag:s2] =	dma.local @!p0 [hbm:s0], s1  }
0x15b: {  	s0 =	simm.s32 @!p0 $0x7  }
0x15c: {  	_ =	swait.ge @!p0 [sflag:s0], s1  }
0x15d: {  	s1 =	ssub.s32 @!p0 $0x0, s1;
	[sflag:s0] =	ssyncset.done @!p0 $0x0  }
0x15e: {  	[sflag:s0] =	ssyncadd.s32 @!p0 s1  }
0x15f: {  	[bflag:$0x3] =	sbarrier.arrive $0xFFFF  }
0x160: {  	_ =	shalt  }

</sc_bundles>
